<compile_context>
chip_gen: v7x
topology: tpu7x:2x2x1
jax: 0.10.2.dev20260603
libtpu: 0.0.44.dev20260713+nightly
codegen_flags: <defaults>
</compile_context>

<pallas_src>
import functools

import jax
import jax.numpy as jnp
import numpy as np
from jax import lax
from jax.experimental import pallas as pl
from jax.experimental.pallas import tpu as pltpu
from jax.experimental.pallas import tpu_sc as plsc

N = 10000
D = 128
H = 4
DH = 32
N_PAD = 10240
NC = 2
NS = 16
NW = NC * NS
CHUNK = 128
CPW = 80
EPW = CPW * CHUNK
E_PAD = NW * EPW
CA = 100
CB = 58
E_PAD_M = NS * (CA + CB) * CHUNK
RPT = N_PAD // NS
BQ = 2000
NKV = 5
NPB = 10

_MESH = plsc.VectorSubcoreMesh(
    core_axis_name="c", subcore_axis_name="s", num_cores=NC, num_subcores=NS)


@functools.partial(
    pl.kernel,
    out_type=jax.ShapeDtypeStruct((NC, N_PAD, D), jnp.float32),
    mesh=_MESH,
    scratch_types=[
        pltpu.VMEM((CPW, CHUNK), jnp.int32),
        pltpu.VMEM((CHUNK, D), jnp.float32),
        pltpu.VMEM_SHARED((N_PAD, D), jnp.float32),
    ],
)
def _sc_deg(dst3, ones_rows, zrows, out, idx_v, ones_v, acc_sh):
    c = lax.axis_index("c")
    s = lax.axis_index("s")
    wid = c * NS + s
    pltpu.sync_copy(zrows.at[pl.ds(s * RPT, RPT)],
                    acc_sh.at[pl.ds(s * RPT, RPT)])
    pltpu.sync_copy(ones_rows, ones_v)
    pltpu.sync_copy(dst3.at[wid], idx_v)
    plsc.subcore_barrier()

    def chunk(j, carry):
        pltpu.sync_copy(ones_v, acc_sh.at[idx_v.at[j]], add=True)
        return carry

    lax.fori_loop(0, CPW, chunk, 0)
    plsc.subcore_barrier()
    pltpu.sync_copy(acc_sh.at[pl.ds(s * RPT, RPT)],
                    out.at[c, pl.ds(s * RPT, RPT)])


@functools.partial(
    pl.kernel,
    out_type=jax.ShapeDtypeStruct((NC, N_PAD, D), jnp.float32),
    mesh=_MESH,
    scratch_types=[
        pltpu.VMEM((CA, CHUNK), jnp.int32),
        pltpu.VMEM((CA, CHUNK), jnp.int32),
        pltpu.VMEM((CHUNK, D), jnp.float32),
        pltpu.VMEM_SHARED((N_PAD, D), jnp.float32),
        pltpu.SemaphoreType.DMA,
    ],
)
def _sc_msg(g_hbm, src3, dst3, zrows, out, sidx_v, didx_v, rows_v,
            acc_sh, sem):
    c = lax.axis_index("c")
    s = lax.axis_index("s")
    wid = c * NS + s
    pltpu.sync_copy(zrows.at[pl.ds(s * RPT, RPT)],
                    acc_sh.at[pl.ds(s * RPT, RPT)])
    pltpu.sync_copy(src3.at[wid], sidx_v)
    pltpu.sync_copy(dst3.at[wid], didx_v)
    plsc.subcore_barrier()

    def chunk(j, carry):
        pltpu.async_copy(g_hbm.at[sidx_v.at[j]], rows_v, sem).wait()
        pltpu.sync_copy(rows_v, acc_sh.at[didx_v.at[j]], add=True)
        return carry

    nchunks = jnp.where(c == 0, CA, CB)
    lax.fori_loop(0, nchunks, chunk, 0)
    plsc.subcore_barrier()
    pltpu.sync_copy(acc_sh.at[pl.ds(s * RPT, RPT)],
                    out.at[c, pl.ds(s * RPT, RPT)])


def _prep_body(x_ref, w_ref, deg_ref, g_ref, hd2_ref):
    dcnt = deg_ref[0, :, 0:1] + deg_ref[1, :, 0:1] + 1.0
    dinv = lax.rsqrt(dcnt)
    h = jnp.dot(x_ref[...], w_ref[...], preferred_element_type=jnp.float32)
    g_ref[...] = h * dinv
    hd2_ref[...] = h * (dinv * dinv)


def _tc_prep(x_pad, w_gcn, deg2):
    blk = N_PAD // NPB
    return pl.pallas_call(
        _prep_body,
        grid=(NPB,),
        in_specs=[
            pl.BlockSpec((blk, D), lambda i: (i, 0)),
            pl.BlockSpec((D, D), lambda i: (0, 0)),
            pl.BlockSpec((NC, blk, D), lambda i: (0, i, 0)),
        ],
        out_specs=[
            pl.BlockSpec((blk, D), lambda i: (i, 0)),
            pl.BlockSpec((blk, D), lambda i: (i, 0)),
        ],
        out_shape=[
            jax.ShapeDtypeStruct((N_PAD, D), jnp.float32),
            jax.ShapeDtypeStruct((N_PAD, D), jnp.float32),
        ],
    )(x_pad, w_gcn, deg2)


def _mid_body(s_ref, deg_ref, hd2_ref, bg_ref, lg_ref, lb_ref,
              wq_ref, bq_ref, wk_ref, bk_ref, wv_ref, bv_ref,
              hn_ref, q_ref, k_ref, v_ref):
    dcnt = deg_ref[0, :, 0:1] + deg_ref[1, :, 0:1] + 1.0
    dinv = lax.rsqrt(dcnt)
    agg = dinv * (s_ref[0] + s_ref[1]) + hd2_ref[...] + bg_ref[...]
    mu = jnp.mean(agg, axis=-1, keepdims=True)
    var = jnp.mean((agg - mu) ** 2, axis=-1, keepdims=True)
    hn = (agg - mu) * lax.rsqrt(var + 1e-5) * lg_ref[...] + lb_ref[...]
    hn_ref[...] = hn
    scale = 1.0 / np.sqrt(DH)
    q = (jnp.dot(hn, wq_ref[...],
                 preferred_element_type=jnp.float32) + bq_ref[...]) * scale
    q_ref[...] = q.astype(jnp.bfloat16)
    k = jnp.dot(hn, wk_ref[...],
                preferred_element_type=jnp.float32) + bk_ref[...]
    k_ref[...] = k.astype(jnp.bfloat16)
    v = jnp.dot(hn, wv_ref[...],
                preferred_element_type=jnp.float32) + bv_ref[...]
    v_ref[...] = v.astype(jnp.bfloat16)


def _tc_mid(s, deg2, hd2, bg, lg, lb, wq, bq, wk, bk, wv, bv):
    row_spec = pl.BlockSpec((BQ, D), lambda i: (i, 0))
    w_spec = pl.BlockSpec((D, D), lambda i: (0, 0))
    b_spec = pl.BlockSpec((1, D), lambda i: (0, 0))
    return pl.pallas_call(
        _mid_body,
        grid=(NKV,),
        in_specs=[
            pl.BlockSpec((NC, BQ, D), lambda i: (0, i, 0)),
            pl.BlockSpec((NC, BQ, D), lambda i: (0, i, 0)),
            row_spec, b_spec, b_spec, b_spec,
            w_spec, b_spec, w_spec, b_spec, w_spec, b_spec,
        ],
        out_specs=[row_spec, row_spec, row_spec, row_spec],
        out_shape=[jax.ShapeDtypeStruct((N, D), jnp.float32)] +
                  [jax.ShapeDtypeStruct((N, D), jnp.bfloat16)] * 3,
    )(s, deg2, hd2, bg, lg, lb, wq, bq, wk, bk, wv, bv)


def _attn_body(q_ref, k_ref, v_ref, hn_ref, wo_ref, bo_ref, o_ref):
    ctxs = []
    for hh in range(H):
        qh = q_ref[:, hh * DH:(hh + 1) * DH]

        def kv_step(j, carry):
            acc = carry
            kh = k_ref[pl.ds(j * BQ, BQ), hh * DH:(hh + 1) * DH]
            vh = v_ref[pl.ds(j * BQ, BQ), hh * DH:(hh + 1) * DH]
            vhe = jnp.concatenate(
                [vh, jnp.ones((BQ, 1), jnp.bfloat16)], axis=1)
            sj = lax.dot_general(qh, kh, (((1,), (1,)), ((), ())),
                                 preferred_element_type=jnp.float32)
            p = jnp.exp(sj - 14.0).astype(jnp.bfloat16)
            return acc + jnp.dot(p, vhe, preferred_element_type=jnp.float32)

        a0 = jnp.zeros((BQ, DH + 1), jnp.float32)
        acc = lax.fori_loop(0, NKV, kv_step, a0)
        ctxs.append(acc[:, :DH] / acc[:, DH:DH + 1])
    ctx = jnp.concatenate(ctxs, axis=1)
    o_ref[...] = hn_ref[...] + jnp.dot(
        ctx.astype(jnp.bfloat16), wo_ref[...],
        preferred_element_type=jnp.float32) + bo_ref[...]


def _tc_attn(q, k, v, hn, wo, bo):
    row_spec = pl.BlockSpec((BQ, D), lambda i: (i, 0))
    full_spec = pl.BlockSpec((N, D), lambda i: (0, 0))
    return pl.pallas_call(
        _attn_body,
        grid=(NKV,),
        in_specs=[row_spec, full_spec, full_spec, row_spec,
                  pl.BlockSpec((D, D), lambda i: (0, 0)),
                  pl.BlockSpec((1, D), lambda i: (0, 0))],
        out_specs=row_spec,
        out_shape=jax.ShapeDtypeStruct((N, D), jnp.float32),
    )(q, k, v, hn, wo.astype(jnp.bfloat16), bo)


def kernel(x, edge_index, W_gcn, b_gcn, ln_g, ln_b,
           Wq, bq, Wk, bk, Wv, bv, Wo, bo):
    src = edge_index[0].astype(jnp.int32)
    dst = edge_index[1].astype(jnp.int32)
    dst3 = jnp.concatenate(
        [dst, jnp.full((E_PAD - dst.shape[0],), N, jnp.int32)]
    ).reshape(NW, CPW, CHUNK)

    def _msg_slabs(idx):
        idx_pad = jnp.concatenate(
            [idx, jnp.full((E_PAD_M - idx.shape[0],), N, jnp.int32)])
        cut = NS * CA * CHUNK
        part_a = idx_pad[:cut].reshape(NS, CA, CHUNK)
        part_b = idx_pad[cut:].reshape(NS, CB, CHUNK)
        part_b = jnp.concatenate(
            [part_b, jnp.full((NS, CA - CB, CHUNK), N, jnp.int32)], axis=1)
        return jnp.concatenate([part_a, part_b], axis=0)

    srcm3 = _msg_slabs(src)
    dstm3 = _msg_slabs(dst)

    ones_rows = jnp.ones((CHUNK, D), jnp.float32)
    zrows = jnp.zeros((N_PAD, D), jnp.float32)
    x_pad = jnp.concatenate(
        [x, jnp.zeros((N_PAD - N, D), jnp.float32)], axis=0)

    deg2 = _sc_deg(dst3, ones_rows, zrows)
    g, hd2 = _tc_prep(x_pad, W_gcn, deg2)
    s = _sc_msg(g, srcm3, dstm3, zrows)
    hn, q, k, v = _tc_mid(
        s, deg2, hd2,
        b_gcn.reshape(1, D), ln_g.reshape(1, D), ln_b.reshape(1, D),
        Wq, bq.reshape(1, D), Wk, bk.reshape(1, D), Wv, bv.reshape(1, D))
    return _tc_attn(q, k, v, hn, Wo, bo.reshape(1, D))

# --- scband reference (transcript-rebuilt; emitter-appended) ---
"""Pipeline reference for scband-quantum-gnnlayer-43911745634930 (READ-ONLY COPY).

The authoritative reference and input builder live on the scoring server;
editing this copy changes nothing except your own understanding.
"""

import jax, jax.numpy as jnp
import numpy as np

N = 10000
E = 320000
D = 128
H = 4
DH = D // H


def setup_inputs(seed: int = 0) -> dict:
    key = jax.random.key(seed)
    ks = jax.random.split(key, 8)
    s = 1.0 / np.sqrt(D)
    return {
        'x': jax.random.normal(ks[0], (N, D), dtype=jnp.float32),
        'edge_index': jax.random.randint(ks[1], (2, E), 0, N),
        'W_gcn': jax.random.normal(ks[2], (D, D), dtype=jnp.float32) * s,
        'b_gcn': jnp.zeros((D,), jnp.float32),
        'ln_g': jnp.ones((D,), jnp.float32),
        'ln_b': jnp.zeros((D,), jnp.float32),
        'Wq': jax.random.normal(ks[3], (D, D), dtype=jnp.float32) * s,
        'bq': jnp.zeros((D,), jnp.float32),
        'Wk': jax.random.normal(ks[4], (D, D), dtype=jnp.float32) * s,
        'bk': jnp.zeros((D,), jnp.float32),
        'Wv': jax.random.normal(ks[5], (D, D), dtype=jnp.float32) * s,
        'bv': jnp.zeros((D,), jnp.float32),
        'Wo': jax.random.normal(ks[6], (D, D), dtype=jnp.float32) * s,
        'bo': jnp.zeros((D,), jnp.float32),
    }


def reference(x, edge_index, W_gcn, b_gcn, ln_g, ln_b, Wq, bq, Wk, bk, Wv, bv, Wo, bo):
    # GCNConv (PyG semantics): add self-loops, symmetric normalization, X @ W then scatter-add, bias after aggregation.
    src = edge_index[0]
    dst = edge_index[1]
    loop = jnp.arange(N, dtype=src.dtype)
    src = jnp.concatenate([src, loop])
    dst = jnp.concatenate([dst, loop])
    h = x @ W_gcn
    deg = jnp.zeros((N,), jnp.float32).at[dst].add(1.0)
    dinv = jax.lax.rsqrt(deg)  # deg >= 1 due to self-loops
    norm = dinv[src] * dinv[dst]
    msg = h[src] * norm[:, None]
    agg = jnp.zeros((N, D), jnp.float32).at[dst].add(msg) + b_gcn
    # LayerNorm
    mu = jnp.mean(agg, axis=-1, keepdims=True)
    var = jnp.mean((agg - mu) ** 2, axis=-1, keepdims=True)
    hn = (agg - mu) / jnp.sqrt(var + 1e-5) * ln_g + ln_b
    # dropout: identity in eval mode
    # ModularQuantumAttention (STANDARD mode) = multi-head self-attention over the N nodes (batch of 1)
    q = (hn @ Wq + bq).reshape(N, H, DH).transpose(1, 0, 2)
    k = (hn @ Wk + bk).reshape(N, H, DH).transpose(1, 0, 2)
    v = (hn @ Wv + bv).reshape(N, H, DH).transpose(1, 0, 2)
    scale = 1.0 / np.sqrt(DH)
    ctx = []
    for i in range(H):  # per-head loop to bound peak memory of the N x N score matrix
        sc = (q[i] @ k[i].T) * scale
        a = jax.nn.softmax(sc, axis=-1)
        ctx.append(a @ v[i])
    ctx = jnp.stack(ctx, axis=1).reshape(N, D)
    att_out = ctx @ Wo + bo
    return hn + att_out

if __name__ == "__main__":
    import jax
    _d = setup_inputs()
    print(jax.jit(kernel)(*tuple(_d.values())))

</pallas_src>

<mosaic_0001>
#map = affine_map<(d0, d1) -> (0, 0, 0)>
#map1 = affine_map<(d0, d1) -> (0, 0)>
module attributes {stable_mosaic.version = 14 : i64} {
  func.func @_sc_deg(%arg0: i32, %arg1: i32, %arg2: memref<32x80x128xi32, #tpu.memory_space<hbm>>, %arg3: memref<128x128xf32, #tpu.memory_space<hbm>>, %arg4: memref<10240x128xf32, #tpu.memory_space<hbm>>, %arg5: memref<2x10240x128xf32, #tpu.memory_space<hbm>>, %arg6: memref<80x128xi32, #tpu.memory_space<vmem>>, %arg7: memref<128x128xf32, #tpu.memory_space<vmem>>, %arg8: memref<10240x128xf32, #tpu.memory_space<vmem_shared>>) attributes {dimension_semantics = [#tpu.dimension_semantics<core_parallel>, #tpu.dimension_semantics<subcore_parallel>], iteration_bounds = array<i64: 2, 16>, scalar_prefetch = 0 : i64, scratch_operands = 3 : i64, tpu.core_type = #tpu.core_type<sc_vector_subcore>, window_params = [{transform_indices = #map}, {transform_indices = #map1}, {transform_indices = #map1}, {transform_indices = #map}]} {
    %mul3A = arith.constant 16 : i32
    %mul3A_0 = arith.muli %arg0, %mul3A : i32
    %add3A = arith.addi %mul3A_0, %arg1 : i32
    %mul3A_1 = arith.constant 640 : i32
    %mul3A_2 = arith.muli %arg1, %mul3A_1 : i32
    %mul3A_3 = arith.constant 640 : i32
    %mul3A_4 = arith.muli %arg1, %mul3A_3 : i32
    "tpu.region"() ({
      %run_scoped3A = tpu.sem_alloc : memref<!tpu.dma_semaphore, #tpu.memory_space<semaphore_mem>>
      %dma_start3A = arith.constant 0 : i32
      %dma_start3A_15 = tpu.memref_slice %arg8[%mul3A_4, %dma_start3A] : memref<10240x128xf32, #tpu.memory_space<vmem_shared>> -> memref<640x128xf32, #tpu.memory_space<vmem_shared>>
      %dma_start3A_16 = arith.constant 0 : i32
      %dma_start3A_17 = tpu.memref_slice %arg4[%mul3A_2, %dma_start3A_16] : memref<10240x128xf32, #tpu.memory_space<hbm>> -> memref<640x128xf32, #tpu.memory_space<hbm>>
      tpu.enqueue_dma source(%dma_start3A_17 : memref<640x128xf32, #tpu.memory_space<hbm>>) target(%dma_start3A_15 : memref<640x128xf32, #tpu.memory_space<vmem_shared>>) target_semaphore(%run_scoped3A : memref<!tpu.dma_semaphore, #tpu.memory_space<semaphore_mem>>)
      %dma_wait3A = arith.constant 0 : i32
      %dma_wait3A_18 = tpu.memref_slice %arg8[%mul3A_4, %dma_wait3A] : memref<10240x128xf32, #tpu.memory_space<vmem_shared>> -> memref<640x128xf32, #tpu.memory_space<vmem_shared>>
      %dma_wait3A_19 = arith.constant 0 : i32
      %dma_wait3A_20 = tpu.memref_slice %arg4[%mul3A_2, %dma_wait3A_19] : memref<10240x128xf32, #tpu.memory_space<hbm>> -> memref<640x128xf32, #tpu.memory_space<hbm>>
      tpu.wait_dma2 semaphore(%run_scoped3A : memref<!tpu.dma_semaphore, #tpu.memory_space<semaphore_mem>>) src(%dma_wait3A_20 : memref<640x128xf32, #tpu.memory_space<hbm>>) dst(%dma_wait3A_18 : memref<640x128xf32, #tpu.memory_space<vmem_shared>>)
      tpu.yield
    }) : () -> ()
    "tpu.region"() ({
      %run_scoped3A = tpu.sem_alloc : memref<!tpu.dma_semaphore, #tpu.memory_space<semaphore_mem>>
      tpu.enqueue_dma source(%arg3 : memref<128x128xf32, #tpu.memory_space<hbm>>) target(%arg7 : memref<128x128xf32, #tpu.memory_space<vmem>>) target_semaphore(%run_scoped3A : memref<!tpu.dma_semaphore, #tpu.memory_space<semaphore_mem>>)
      tpu.wait_dma2 semaphore(%run_scoped3A : memref<!tpu.dma_semaphore, #tpu.memory_space<semaphore_mem>>) src(%arg3 : memref<128x128xf32, #tpu.memory_space<hbm>>) dst(%arg7 : memref<128x128xf32, #tpu.memory_space<vmem>>)
      tpu.yield
    }) : () -> ()
    "tpu.region"() ({
      %run_scoped3A = tpu.sem_alloc : memref<!tpu.dma_semaphore, #tpu.memory_space<semaphore_mem>>
      %dma_start3A = arith.constant 0 : i32
      %dma_start3A_15 = arith.constant 0 : i32
      %dma_start3A_16 = tpu.memref_slice %arg2[%add3A, %dma_start3A, %dma_start3A_15] : memref<32x80x128xi32, #tpu.memory_space<hbm>> -> memref<1x80x128xi32, #tpu.memory_space<hbm>>
      %dma_start3A_17 = tpu.memref_squeeze %dma_start3A_16 : memref<1x80x128xi32, #tpu.memory_space<hbm>> -> memref<80x128xi32, #tpu.memory_space<hbm>>
      %dma_start3A_18 = arith.constant 0 : i32
      %dma_start3A_19 = arith.constant 0 : i32
      %dma_start3A_20 = tpu.memref_slice %arg2[%add3A, %dma_start3A_18, %dma_start3A_19] : memref<32x80x128xi32, #tpu.memory_space<hbm>> -> memref<1x80x128xi32, #tpu.memory_space<hbm>>
      %dma_start3A_21 = tpu.memref_squeeze %dma_start3A_20 : memref<1x80x128xi32, #tpu.memory_space<hbm>> -> memref<80x128xi32, #tpu.memory_space<hbm>>
      tpu.enqueue_dma source(%dma_start3A_21 : memref<80x128xi32, #tpu.memory_space<hbm>>) target(%arg6 : memref<80x128xi32, #tpu.memory_space<vmem>>) target_semaphore(%run_scoped3A : memref<!tpu.dma_semaphore, #tpu.memory_space<semaphore_mem>>)
      %dma_wait3A = arith.constant 0 : i32
      %dma_wait3A_22 = arith.constant 0 : i32
      %dma_wait3A_23 = tpu.memref_slice %arg2[%add3A, %dma_wait3A, %dma_wait3A_22] : memref<32x80x128xi32, #tpu.memory_space<hbm>> -> memref<1x80x128xi32, #tpu.memory_space<hbm>>
      %dma_wait3A_24 = tpu.memref_squeeze %dma_wait3A_23 : memref<1x80x128xi32, #tpu.memory_space<hbm>> -> memref<80x128xi32, #tpu.memory_space<hbm>>
      %dma_wait3A_25 = arith.constant 0 : i32
      %dma_wait3A_26 = arith.constant 0 : i32
      %dma_wait3A_27 = tpu.memref_slice %arg2[%add3A, %dma_wait3A_25, %dma_wait3A_26] : memref<32x80x128xi32, #tpu.memory_space<hbm>> -> memref<1x80x128xi32, #tpu.memory_space<hbm>>
      %dma_wait3A_28 = tpu.memref_squeeze %dma_wait3A_27 : memref<1x80x128xi32, #tpu.memory_space<hbm>> -> memref<80x128xi32, #tpu.memory_space<hbm>>
      tpu.wait_dma2 semaphore(%run_scoped3A : memref<!tpu.dma_semaphore, #tpu.memory_space<semaphore_mem>>) src(%dma_wait3A_28 : memref<80x128xi32, #tpu.memory_space<hbm>>) dst(%arg6 : memref<80x128xi32, #tpu.memory_space<vmem>>)
      tpu.yield
    }) : () -> ()
    %barrier3A = arith.constant 0 : index
    tpu.barrier barrier_id(%barrier3A)
    %scan3A = arith.constant 0 : i32
    %scan3A_5 = arith.constant 0 : i32
    %scan3A_6 = arith.constant 80 : i32
    %scan3A_7 = arith.addi %scan3A_5, %scan3A_6 : i32
    %scan3A_8 = arith.constant 1 : i32
    scf.for %scan3A_15 = %scan3A_5 to %scan3A_7 step %scan3A_8  : i32 {
      "tpu.region"() ({
        %run_scoped3A = tpu.sem_alloc : memref<!tpu.dma_semaphore, #tpu.memory_space<semaphore_mem>>
        %dma_start3A = arith.constant 0 : i32
        %dma_start3A_16 = tpu.memref_slice %arg6[%scan3A_15, %dma_start3A] : memref<80x128xi32, #tpu.memory_space<vmem>> -> memref<1x128xi32, #tpu.memory_space<vmem>>
        %dma_start3A_17 = tpu.memref_squeeze %dma_start3A_16 : memref<1x128xi32, #tpu.memory_space<vmem>> -> memref<128xi32, #tpu.memory_space<vmem>>
        %dma_start3A_18 = arith.constant 0 : i32
        %dma_start3A_19 = arith.constant 0 : i32
        %dma_start3A_20 = tpu.memref_slice %arg8[%dma_start3A_18, %dma_start3A_19] : memref<10240x128xf32, #tpu.memory_space<vmem_shared>> -> memref<10240x128xf32, #tpu.memory_space<vmem_shared>>
        tpu.enqueue_indirect_dma source(%arg7 : memref<128x128xf32, #tpu.memory_space<vmem>>) target(%dma_start3A_20 : memref<10240x128xf32, #tpu.memory_space<vmem_shared>>) offsets(%dma_start3A_17 : memref<128xi32, #tpu.memory_space<vmem>>) semaphore(%run_scoped3A : memref<!tpu.dma_semaphore, #tpu.memory_space<semaphore_mem>>) {add = true}
        %dma_wait3A = arith.constant 0 : i32
        %dma_wait3A_21 = tpu.memref_slice %arg6[%scan3A_15, %dma_wait3A] : memref<80x128xi32, #tpu.memory_space<vmem>> -> memref<1x128xi32, #tpu.memory_space<vmem>>
        %dma_wait3A_22 = tpu.memref_squeeze %dma_wait3A_21 : memref<1x128xi32, #tpu.memory_space<vmem>> -> memref<128xi32, #tpu.memory_space<vmem>>
        %dma_wait3A_23 = arith.constant 0 : i32
        %dma_wait3A_24 = arith.constant 0 : i32
        %dma_wait3A_25 = tpu.memref_slice %arg8[%dma_wait3A_23, %dma_wait3A_24] : memref<10240x128xf32, #tpu.memory_space<vmem_shared>> -> memref<10240x128xf32, #tpu.memory_space<vmem_shared>>
        tpu.wait_indirect_dma semaphore(%run_scoped3A : memref<!tpu.dma_semaphore, #tpu.memory_space<semaphore_mem>>) src(%arg7 : memref<128x128xf32, #tpu.memory_space<vmem>>) dst(%dma_wait3A_25 : memref<10240x128xf32, #tpu.memory_space<vmem_shared>>)
        tpu.yield
      }) : () -> ()
    }
    %scan3A_9 = arith.constant 80 : i32
    %barrier3A_10 = arith.constant 0 : index
    tpu.barrier barrier_id(%barrier3A_10)
    %mul3A_11 = arith.constant 640 : i32
    %mul3A_12 = arith.muli %arg1, %mul3A_11 : i32
    %mul3A_13 = arith.constant 640 : i32
    %mul3A_14 = arith.muli %arg1, %mul3A_13 : i32
    "tpu.region"() ({
      %run_scoped3A = tpu.sem_alloc : memref<!tpu.dma_semaphore, #tpu.memory_space<semaphore_mem>>
      %dma_start3A = arith.constant 0 : i32
      %dma_start3A_15 = tpu.memref_slice %arg5[%arg0, %mul3A_14, %dma_start3A] : memref<2x10240x128xf32, #tpu.memory_space<hbm>> -> memref<1x640x128xf32, #tpu.memory_space<hbm>>
      %dma_start3A_16 = tpu.memref_squeeze %dma_start3A_15 : memref<1x640x128xf32, #tpu.memory_space<hbm>> -> memref<640x128xf32, #tpu.memory_space<hbm>>
      %dma_start3A_17 = arith.constant 0 : i32
      %dma_start3A_18 = tpu.memref_slice %arg8[%mul3A_12, %dma_start3A_17] : memref<10240x128xf32, #tpu.memory_space<vmem_shared>> -> memref<640x128xf32, #tpu.memory_space<vmem_shared>>
      tpu.enqueue_dma source(%dma_start3A_18 : memref<640x128xf32, #tpu.memory_space<vmem_shared>>) target(%dma_start3A_16 : memref<640x128xf32, #tpu.memory_space<hbm>>) target_semaphore(%run_scoped3A : memref<!tpu.dma_semaphore, #tpu.memory_space<semaphore_mem>>)
      %dma_wait3A = arith.constant 0 : i32
      %dma_wait3A_19 = tpu.memref_slice %arg5[%arg0, %mul3A_14, %dma_wait3A] : memref<2x10240x128xf32, #tpu.memory_space<hbm>> -> memref<1x640x128xf32, #tpu.memory_space<hbm>>
      %dma_wait3A_20 = tpu.memref_squeeze %dma_wait3A_19 : memref<1x640x128xf32, #tpu.memory_space<hbm>> -> memref<640x128xf32, #tpu.memory_space<hbm>>
      %dma_wait3A_21 = arith.constant 0 : i32
      %dma_wait3A_22 = tpu.memref_slice %arg8[%mul3A_12, %dma_wait3A_21] : memref<10240x128xf32, #tpu.memory_space<vmem_shared>> -> memref<640x128xf32, #tpu.memory_space<vmem_shared>>
      tpu.wait_dma2 semaphore(%run_scoped3A : memref<!tpu.dma_semaphore, #tpu.memory_space<semaphore_mem>>) src(%dma_wait3A_22 : memref<640x128xf32, #tpu.memory_space<vmem_shared>>) dst(%dma_wait3A_20 : memref<640x128xf32, #tpu.memory_space<hbm>>)
      tpu.yield
    }) : () -> ()
    return
  }
}

#map = affine_map<(d0, d1) -> (0, 0)>
#map1 = affine_map<(d0, d1) -> (0, 0, 0)>
module attributes {stable_mosaic.version = 14 : i64} {
  func.func @_sc_msg(%arg0: i32, %arg1: i32, %arg2: memref<10240x128xf32, #tpu.memory_space<hbm>>, %arg3: memref<32x100x128xi32, #tpu.memory_space<hbm>>, %arg4: memref<32x100x128xi32, #tpu.memory_space<hbm>>, %arg5: memref<10240x128xf32, #tpu.memory_space<hbm>>, %arg6: memref<2x10240x128xf32, #tpu.memory_space<hbm>>, %arg7: memref<100x128xi32, #tpu.memory_space<vmem>>, %arg8: memref<100x128xi32, #tpu.memory_space<vmem>>, %arg9: memref<128x128xf32, #tpu.memory_space<vmem>>, %arg10: memref<10240x128xf32, #tpu.memory_space<vmem_shared>>, %arg11: memref<!tpu.dma_semaphore, #tpu.memory_space<semaphore_mem>>) attributes {dimension_semantics = [#tpu.dimension_semantics<core_parallel>, #tpu.dimension_semantics<subcore_parallel>], iteration_bounds = array<i64: 2, 16>, scalar_prefetch = 0 : i64, scratch_operands = 5 : i64, tpu.core_type = #tpu.core_type<sc_vector_subcore>, window_params = [{transform_indices = #map}, {transform_indices = #map1}, {transform_indices = #map1}, {transform_indices = #map}, {transform_indices = #map1}]} {
    %mul3A = arith.constant 16 : i32
    %mul3A_0 = arith.muli %arg0, %mul3A : i32
    %add3A = arith.addi %mul3A_0, %arg1 : i32
    %mul3A_1 = arith.constant 640 : i32
    %mul3A_2 = arith.muli %arg1, %mul3A_1 : i32
    %mul3A_3 = arith.constant 640 : i32
    %mul3A_4 = arith.muli %arg1, %mul3A_3 : i32
    "tpu.region"() ({
      %run_scoped3A = tpu.sem_alloc : memref<!tpu.dma_semaphore, #tpu.memory_space<semaphore_mem>>
      %dma_start3A = arith.constant 0 : i32
      %dma_start3A_21 = tpu.memref_slice %arg10[%mul3A_4, %dma_start3A] : memref<10240x128xf32, #tpu.memory_space<vmem_shared>> -> memref<640x128xf32, #tpu.memory_space<vmem_shared>>
      %dma_start3A_22 = arith.constant 0 : i32
      %dma_start3A_23 = tpu.memref_slice %arg5[%mul3A_2, %dma_start3A_22] : memref<10240x128xf32, #tpu.memory_space<hbm>> -> memref<640x128xf32, #tpu.memory_space<hbm>>
      tpu.enqueue_dma source(%dma_start3A_23 : memref<640x128xf32, #tpu.memory_space<hbm>>) target(%dma_start3A_21 : memref<640x128xf32, #tpu.memory_space<vmem_shared>>) target_semaphore(%run_scoped3A : memref<!tpu.dma_semaphore, #tpu.memory_space<semaphore_mem>>)
      %dma_wait3A = arith.constant 0 : i32
      %dma_wait3A_24 = tpu.memref_slice %arg10[%mul3A_4, %dma_wait3A] : memref<10240x128xf32, #tpu.memory_space<vmem_shared>> -> memref<640x128xf32, #tpu.memory_space<vmem_shared>>
      %dma_wait3A_25 = arith.constant 0 : i32
      %dma_wait3A_26 = tpu.memref_slice %arg5[%mul3A_2, %dma_wait3A_25] : memref<10240x128xf32, #tpu.memory_space<hbm>> -> memref<640x128xf32, #tpu.memory_space<hbm>>
      tpu.wait_dma2 semaphore(%run_scoped3A : memref<!tpu.dma_semaphore, #tpu.memory_space<semaphore_mem>>) src(%dma_wait3A_26 : memref<640x128xf32, #tpu.memory_space<hbm>>) dst(%dma_wait3A_24 : memref<640x128xf32, #tpu.memory_space<vmem_shared>>)
      tpu.yield
    }) : () -> ()
    "tpu.region"() ({
      %run_scoped3A = tpu.sem_alloc : memref<!tpu.dma_semaphore, #tpu.memory_space<semaphore_mem>>
      %dma_start3A = arith.constant 0 : i32
      %dma_start3A_21 = arith.constant 0 : i32
      %dma_start3A_22 = tpu.memref_slice %arg3[%add3A, %dma_start3A, %dma_start3A_21] : memref<32x100x128xi32, #tpu.memory_space<hbm>> -> memref<1x100x128xi32, #tpu.memory_space<hbm>>
      %dma_start3A_23 = tpu.memref_squeeze %dma_start3A_22 : memref<1x100x128xi32, #tpu.memory_space<hbm>> -> memref<100x128xi32, #tpu.memory_space<hbm>>
      %dma_start3A_24 = arith.constant 0 : i32
      %dma_start3A_25 = arith.constant 0 : i32
      %dma_start3A_26 = tpu.memref_slice %arg3[%add3A, %dma_start3A_24, %dma_start3A_25] : memref<32x100x128xi32, #tpu.memory_space<hbm>> -> memref<1x100x128xi32, #tpu.memory_space<hbm>>
      %dma_start3A_27 = tpu.memref_squeeze %dma_start3A_26 : memref<1x100x128xi32, #tpu.memory_space<hbm>> -> memref<100x128xi32, #tpu.memory_space<hbm>>
      tpu.enqueue_dma source(%dma_start3A_27 : memref<100x128xi32, #tpu.memory_space<hbm>>) target(%arg7 : memref<100x128xi32, #tpu.memory_space<vmem>>) target_semaphore(%run_scoped3A : memref<!tpu.dma_semaphore, #tpu.memory_space<semaphore_mem>>)
      %dma_wait3A = arith.constant 0 : i32
      %dma_wait3A_28 = arith.constant 0 : i32
      %dma_wait3A_29 = tpu.memref_slice %arg3[%add3A, %dma_wait3A, %dma_wait3A_28] : memref<32x100x128xi32, #tpu.memory_space<hbm>> -> memref<1x100x128xi32, #tpu.memory_space<hbm>>
      %dma_wait3A_30 = tpu.memref_squeeze %dma_wait3A_29 : memref<1x100x128xi32, #tpu.memory_space<hbm>> -> memref<100x128xi32, #tpu.memory_space<hbm>>
      %dma_wait3A_31 = arith.constant 0 : i32
      %dma_wait3A_32 = arith.constant 0 : i32
      %dma_wait3A_33 = tpu.memref_slice %arg3[%add3A, %dma_wait3A_31, %dma_wait3A_32] : memref<32x100x128xi32, #tpu.memory_space<hbm>> -> memref<1x100x128xi32, #tpu.memory_space<hbm>>
      %dma_wait3A_34 = tpu.memref_squeeze %dma_wait3A_33 : memref<1x100x128xi32, #tpu.memory_space<hbm>> -> memref<100x128xi32, #tpu.memory_space<hbm>>
      tpu.wait_dma2 semaphore(%run_scoped3A : memref<!tpu.dma_semaphore, #tpu.memory_space<semaphore_mem>>) src(%dma_wait3A_34 : memref<100x128xi32, #tpu.memory_space<hbm>>) dst(%arg7 : memref<100x128xi32, #tpu.memory_space<vmem>>)
      tpu.yield
    }) : () -> ()
    "tpu.region"() ({
      %run_scoped3A = tpu.sem_alloc : memref<!tpu.dma_semaphore, #tpu.memory_space<semaphore_mem>>
      %dma_start3A = arith.constant 0 : i32
      %dma_start3A_21 = arith.constant 0 : i32
      %dma_start3A_22 = tpu.memref_slice %arg4[%add3A, %dma_start3A, %dma_start3A_21] : memref<32x100x128xi32, #tpu.memory_space<hbm>> -> memref<1x100x128xi32, #tpu.memory_space<hbm>>
      %dma_start3A_23 = tpu.memref_squeeze %dma_start3A_22 : memref<1x100x128xi32, #tpu.memory_space<hbm>> -> memref<100x128xi32, #tpu.memory_space<hbm>>
      %dma_start3A_24 = arith.constant 0 : i32
      %dma_start3A_25 = arith.constant 0 : i32
      %dma_start3A_26 = tpu.memref_slice %arg4[%add3A, %dma_start3A_24, %dma_start3A_25] : memref<32x100x128xi32, #tpu.memory_space<hbm>> -> memref<1x100x128xi32, #tpu.memory_space<hbm>>
      %dma_start3A_27 = tpu.memref_squeeze %dma_start3A_26 : memref<1x100x128xi32, #tpu.memory_space<hbm>> -> memref<100x128xi32, #tpu.memory_space<hbm>>
      tpu.enqueue_dma source(%dma_start3A_27 : memref<100x128xi32, #tpu.memory_space<hbm>>) target(%arg8 : memref<100x128xi32, #tpu.memory_space<vmem>>) target_semaphore(%run_scoped3A : memref<!tpu.dma_semaphore, #tpu.memory_space<semaphore_mem>>)
      %dma_wait3A = arith.constant 0 : i32
      %dma_wait3A_28 = arith.constant 0 : i32
      %dma_wait3A_29 = tpu.memref_slice %arg4[%add3A, %dma_wait3A, %dma_wait3A_28] : memref<32x100x128xi32, #tpu.memory_space<hbm>> -> memref<1x100x128xi32, #tpu.memory_space<hbm>>
      %dma_wait3A_30 = tpu.memref_squeeze %dma_wait3A_29 : memref<1x100x128xi32, #tpu.memory_space<hbm>> -> memref<100x128xi32, #tpu.memory_space<hbm>>
      %dma_wait3A_31 = arith.constant 0 : i32
      %dma_wait3A_32 = arith.constant 0 : i32
      %dma_wait3A_33 = tpu.memref_slice %arg4[%add3A, %dma_wait3A_31, %dma_wait3A_32] : memref<32x100x128xi32, #tpu.memory_space<hbm>> -> memref<1x100x128xi32, #tpu.memory_space<hbm>>
      %dma_wait3A_34 = tpu.memref_squeeze %dma_wait3A_33 : memref<1x100x128xi32, #tpu.memory_space<hbm>> -> memref<100x128xi32, #tpu.memory_space<hbm>>
      tpu.wait_dma2 semaphore(%run_scoped3A : memref<!tpu.dma_semaphore, #tpu.memory_space<semaphore_mem>>) src(%dma_wait3A_34 : memref<100x128xi32, #tpu.memory_space<hbm>>) dst(%arg8 : memref<100x128xi32, #tpu.memory_space<vmem>>)
      tpu.yield
    }) : () -> ()
    %barrier3A = arith.constant 0 : index
    tpu.barrier barrier_id(%barrier3A)
    %eq3A = arith.constant 0 : i32
    %eq3A_5 = arith.cmpi eq, %arg0, %eq3A : i32
    %jit3A = arith.constant 100 : i32
    %jit3A_6 = arith.constant 58 : i32
    %select_n3A = arith.select %eq3A_5, %jit3A, %jit3A_6 : i32
    %while3A = arith.constant 0 : i32
    %while3A_7 = arith.constant 0 : i32
    %while3A_8 = arith.subi %select_n3A, %while3A_7 : i32
    %while3A_9 = arith.addi %while3A_7, %while3A_8 : i32
    %while3A_10 = arith.constant 1 : i32
    %while3A_11 = arith.divsi %while3A_8, %while3A_10 : i32
    %while3A_12 = arith.muli %while3A_11, %while3A_10 : i32
    %while3A_13 = arith.addi %while3A_7, %while3A_12 : i32
    %while3A_14 = arith.constant 1 : i32
    scf.for %while3A_21 = %while3A_7 to %while3A_13 step %while3A_14  : i32 {
      %dma_start3A = arith.constant 0 : i32
      %dma_start3A_22 = tpu.memref_slice %arg7[%while3A_21, %dma_start3A] : memref<100x128xi32, #tpu.memory_space<vmem>> -> memref<1x128xi32, #tpu.memory_space<vmem>>
      %dma_start3A_23 = tpu.memref_squeeze %dma_start3A_22 : memref<1x128xi32, #tpu.memory_space<vmem>> -> memref<128xi32, #tpu.memory_space<vmem>>
      %dma_start3A_24 = arith.constant 0 : i32
      %dma_start3A_25 = arith.constant 0 : i32
      %dma_start3A_26 = tpu.memref_slice %arg2[%dma_start3A_24, %dma_start3A_25] : memref<10240x128xf32, #tpu.memory_space<hbm>> -> memref<10240x128xf32, #tpu.memory_space<hbm>>
      tpu.enqueue_indirect_dma source(%dma_start3A_26 : memref<10240x128xf32, #tpu.memory_space<hbm>>) target(%arg9 : memref<128x128xf32, #tpu.memory_space<vmem>>) offsets(%dma_start3A_23 : memref<128xi32, #tpu.memory_space<vmem>>) semaphore(%arg11 : memref<!tpu.dma_semaphore, #tpu.memory_space<semaphore_mem>>)
      %dma_wait3A = arith.constant 0 : i32
      %dma_wait3A_27 = tpu.memref_slice %arg7[%while3A_21, %dma_wait3A] : memref<100x128xi32, #tpu.memory_space<vmem>> -> memref<1x128xi32, #tpu.memory_space<vmem>>
      %dma_wait3A_28 = tpu.memref_squeeze %dma_wait3A_27 : memref<1x128xi32, #tpu.memory_space<vmem>> -> memref<128xi32, #tpu.memory_space<vmem>>
      %dma_wait3A_29 = arith.constant 0 : i32
      %dma_wait3A_30 = arith.constant 0 : i32
      %dma_wait3A_31 = tpu.memref_slice %arg2[%dma_wait3A_29, %dma_wait3A_30] : memref<10240x128xf32, #tpu.memory_space<hbm>> -> memref<10240x128xf32, #tpu.memory_space<hbm>>
      tpu.wait_indirect_dma semaphore(%arg11 : memref<!tpu.dma_semaphore, #tpu.memory_space<semaphore_mem>>) src(%dma_wait3A_31 : memref<10240x128xf32, #tpu.memory_space<hbm>>) dst(%arg9 : memref<128x128xf32, #tpu.memory_space<vmem>>)
      "tpu.region"() ({
        %run_scoped3A = tpu.sem_alloc : memref<!tpu.dma_semaphore, #tpu.memory_space<semaphore_mem>>
        %dma_start3A_32 = arith.constant 0 : i32
        %dma_start3A_33 = tpu.memref_slice %arg8[%while3A_21, %dma_start3A_32] : memref<100x128xi32, #tpu.memory_space<vmem>> -> memref<1x128xi32, #tpu.memory_space<vmem>>
        %dma_start3A_34 = tpu.memref_squeeze %dma_start3A_33 : memref<1x128xi32, #tpu.memory_space<vmem>> -> memref<128xi32, #tpu.memory_space<vmem>>
        %dma_start3A_35 = arith.constant 0 : i32
        %dma_start3A_36 = arith.constant 0 : i32
        %dma_start3A_37 = tpu.memref_slice %arg10[%dma_start3A_35, %dma_start3A_36] : memref<10240x128xf32, #tpu.memory_space<vmem_shared>> -> memref<10240x128xf32, #tpu.memory_space<vmem_shared>>
        tpu.enqueue_indirect_dma source(%arg9 : memref<128x128xf32, #tpu.memory_space<vmem>>) target(%dma_start3A_37 : memref<10240x128xf32, #tpu.memory_space<vmem_shared>>) offsets(%dma_start3A_34 : memref<128xi32, #tpu.memory_space<vmem>>) semaphore(%run_scoped3A : memref<!tpu.dma_semaphore, #tpu.memory_space<semaphore_mem>>) {add = true}
        %dma_wait3A_38 = arith.constant 0 : i32
        %dma_wait3A_39 = tpu.memref_slice %arg8[%while3A_21, %dma_wait3A_38] : memref<100x128xi32, #tpu.memory_space<vmem>> -> memref<1x128xi32, #tpu.memory_space<vmem>>
        %dma_wait3A_40 = tpu.memref_squeeze %dma_wait3A_39 : memref<1x128xi32, #tpu.memory_space<vmem>> -> memref<128xi32, #tpu.memory_space<vmem>>
        %dma_wait3A_41 = arith.constant 0 : i32
        %dma_wait3A_42 = arith.constant 0 : i32
        %dma_wait3A_43 = tpu.memref_slice %arg10[%dma_wait3A_41, %dma_wait3A_42] : memref<10240x128xf32, #tpu.memory_space<vmem_shared>> -> memref<10240x128xf32, #tpu.memory_space<vmem_shared>>
        tpu.wait_indirect_dma semaphore(%run_scoped3A : memref<!tpu.dma_semaphore, #tpu.memory_space<semaphore_mem>>) src(%arg9 : memref<128x128xf32, #tpu.memory_space<vmem>>) dst(%dma_wait3A_43 : memref<10240x128xf32, #tpu.memory_space<vmem_shared>>)
        tpu.yield
      }) : () -> ()
    }
    %while3A_15 = arith.constant 1 : i32
    scf.for %while3A_21 = %while3A_13 to %while3A_9 step %while3A_15  : i32 {
      %dma_start3A = arith.constant 0 : i32
      %dma_start3A_22 = tpu.memref_slice %arg7[%while3A_21, %dma_start3A] : memref<100x128xi32, #tpu.memory_space<vmem>> -> memref<1x128xi32, #tpu.memory_space<vmem>>
      %dma_start3A_23 = tpu.memref_squeeze %dma_start3A_22 : memref<1x128xi32, #tpu.memory_space<vmem>> -> memref<128xi32, #tpu.memory_space<vmem>>
      %dma_start3A_24 = arith.constant 0 : i32
      %dma_start3A_25 = arith.constant 0 : i32
      %dma_start3A_26 = tpu.memref_slice %arg2[%dma_start3A_24, %dma_start3A_25] : memref<10240x128xf32, #tpu.memory_space<hbm>> -> memref<10240x128xf32, #tpu.memory_space<hbm>>
      tpu.enqueue_indirect_dma source(%dma_start3A_26 : memref<10240x128xf32, #tpu.memory_space<hbm>>) target(%arg9 : memref<128x128xf32, #tpu.memory_space<vmem>>) offsets(%dma_start3A_23 : memref<128xi32, #tpu.memory_space<vmem>>) semaphore(%arg11 : memref<!tpu.dma_semaphore, #tpu.memory_space<semaphore_mem>>)
      %dma_wait3A = arith.constant 0 : i32
      %dma_wait3A_27 = tpu.memref_slice %arg7[%while3A_21, %dma_wait3A] : memref<100x128xi32, #tpu.memory_space<vmem>> -> memref<1x128xi32, #tpu.memory_space<vmem>>
      %dma_wait3A_28 = tpu.memref_squeeze %dma_wait3A_27 : memref<1x128xi32, #tpu.memory_space<vmem>> -> memref<128xi32, #tpu.memory_space<vmem>>
      %dma_wait3A_29 = arith.constant 0 : i32
      %dma_wait3A_30 = arith.constant 0 : i32
      %dma_wait3A_31 = tpu.memref_slice %arg2[%dma_wait3A_29, %dma_wait3A_30] : memref<10240x128xf32, #tpu.memory_space<hbm>> -> memref<10240x128xf32, #tpu.memory_space<hbm>>
      tpu.wait_indirect_dma semaphore(%arg11 : memref<!tpu.dma_semaphore, #tpu.memory_space<semaphore_mem>>) src(%dma_wait3A_31 : memref<10240x128xf32, #tpu.memory_space<hbm>>) dst(%arg9 : memref<128x128xf32, #tpu.memory_space<vmem>>)
      "tpu.region"() ({
        %run_scoped3A = tpu.sem_alloc : memref<!tpu.dma_semaphore, #tpu.memory_space<semaphore_mem>>
        %dma_start3A_32 = arith.constant 0 : i32
        %dma_start3A_33 = tpu.memref_slice %arg8[%while3A_21, %dma_start3A_32] : memref<100x128xi32, #tpu.memory_space<vmem>> -> memref<1x128xi32, #tpu.memory_space<vmem>>
        %dma_start3A_34 = tpu.memref_squeeze %dma_start3A_33 : memref<1x128xi32, #tpu.memory_space<vmem>> -> memref<128xi32, #tpu.memory_space<vmem>>
        %dma_start3A_35 = arith.constant 0 : i32
        %dma_start3A_36 = arith.constant 0 : i32
        %dma_start3A_37 = tpu.memref_slice %arg10[%dma_start3A_35, %dma_start3A_36] : memref<10240x128xf32, #tpu.memory_space<vmem_shared>> -> memref<10240x128xf32, #tpu.memory_space<vmem_shared>>
        tpu.enqueue_indirect_dma source(%arg9 : memref<128x128xf32, #tpu.memory_space<vmem>>) target(%dma_start3A_37 : memref<10240x128xf32, #tpu.memory_space<vmem_shared>>) offsets(%dma_start3A_34 : memref<128xi32, #tpu.memory_space<vmem>>) semaphore(%run_scoped3A : memref<!tpu.dma_semaphore, #tpu.memory_space<semaphore_mem>>) {add = true}
        %dma_wait3A_38 = arith.constant 0 : i32
        %dma_wait3A_39 = tpu.memref_slice %arg8[%while3A_21, %dma_wait3A_38] : memref<100x128xi32, #tpu.memory_space<vmem>> -> memref<1x128xi32, #tpu.memory_space<vmem>>
        %dma_wait3A_40 = tpu.memref_squeeze %dma_wait3A_39 : memref<1x128xi32, #tpu.memory_space<vmem>> -> memref<128xi32, #tpu.memory_space<vmem>>
        %dma_wait3A_41 = arith.constant 0 : i32
        %dma_wait3A_42 = arith.constant 0 : i32
        %dma_wait3A_43 = tpu.memref_slice %arg10[%dma_wait3A_41, %dma_wait3A_42] : memref<10240x128xf32, #tpu.memory_space<vmem_shared>> -> memref<10240x128xf32, #tpu.memory_space<vmem_shared>>
        tpu.wait_indirect_dma semaphore(%run_scoped3A : memref<!tpu.dma_semaphore, #tpu.memory_space<semaphore_mem>>) src(%arg9 : memref<128x128xf32, #tpu.memory_space<vmem>>) dst(%dma_wait3A_43 : memref<10240x128xf32, #tpu.memory_space<vmem_shared>>)
        tpu.yield
      }) : () -> ()
    }
    %barrier3A_16 = arith.constant 0 : index
    tpu.barrier barrier_id(%barrier3A_16)
    %mul3A_17 = arith.constant 640 : i32
    %mul3A_18 = arith.muli %arg1, %mul3A_17 : i32
    %mul3A_19 = arith.constant 640 : i32
    %mul3A_20 = arith.muli %arg1, %mul3A_19 : i32
    "tpu.region"() ({
      %run_scoped3A = tpu.sem_alloc : memref<!tpu.dma_semaphore, #tpu.memory_space<semaphore_mem>>
      %dma_start3A = arith.constant 0 : i32
      %dma_start3A_21 = tpu.memref_slice %arg6[%arg0, %mul3A_20, %dma_start3A] : memref<2x10240x128xf32, #tpu.memory_space<hbm>> -> memref<1x640x128xf32, #tpu.memory_space<hbm>>
      %dma_start3A_22 = tpu.memref_squeeze %dma_start3A_21 : memref<1x640x128xf32, #tpu.memory_space<hbm>> -> memref<640x128xf32, #tpu.memory_space<hbm>>
      %dma_start3A_23 = arith.constant 0 : i32
      %dma_start3A_24 = tpu.memref_slice %arg10[%mul3A_18, %dma_start3A_23] : memref<10240x128xf32, #tpu.memory_space<vmem_shared>> -> memref<640x128xf32, #tpu.memory_space<vmem_shared>>
      tpu.enqueue_dma source(%dma_start3A_24 : memref<640x128xf32, #tpu.memory_space<vmem_shared>>) target(%dma_start3A_22 : memref<640x128xf32, #tpu.memory_space<hbm>>) target_semaphore(%run_scoped3A : memref<!tpu.dma_semaphore, #tpu.memory_space<semaphore_mem>>)
      %dma_wait3A = arith.constant 0 : i32
      %dma_wait3A_25 = tpu.memref_slice %arg6[%arg0, %mul3A_20, %dma_wait3A] : memref<2x10240x128xf32, #tpu.memory_space<hbm>> -> memref<1x640x128xf32, #tpu.memory_space<hbm>>
      %dma_wait3A_26 = tpu.memref_squeeze %dma_wait3A_25 : memref<1x640x128xf32, #tpu.memory_space<hbm>> -> memref<640x128xf32, #tpu.memory_space<hbm>>
      %dma_wait3A_27 = arith.constant 0 : i32
      %dma_wait3A_28 = tpu.memref_slice %arg10[%mul3A_18, %dma_wait3A_27] : memref<10240x128xf32, #tpu.memory_space<vmem_shared>> -> memref<640x128xf32, #tpu.memory_space<vmem_shared>>
      tpu.wait_dma2 semaphore(%run_scoped3A : memref<!tpu.dma_semaphore, #tpu.memory_space<semaphore_mem>>) src(%dma_wait3A_28 : memref<640x128xf32, #tpu.memory_space<vmem_shared>>) dst(%dma_wait3A_26 : memref<640x128xf32, #tpu.memory_space<hbm>>)
      tpu.yield
    }) : () -> ()
    return
  }
}

module attributes {stable_mosaic.version = 14 : i64} {
  func.func @_prep_body(%arg0: i32, %arg1: memref<1024x128xf32, #tpu.memory_space<vmem>>, %arg2: memref<128x128xf32, #tpu.memory_space<vmem>>, %arg3: memref<2x1024x128xf32, #tpu.memory_space<vmem>>, %arg4: memref<1024x128xf32, #tpu.memory_space<vmem>>, %arg5: memref<1024x128xf32, #tpu.memory_space<vmem>>) attributes {dimension_semantics = [#tpu.dimension_semantics<arbitrary>], iteration_bounds = array<i64: 10>, scalar_prefetch = 0 : i64, scratch_operands = 0 : i64, tpu.core_type = #tpu.core_type<tc>, window_params = [{transform_indices = @transform_0, window_bounds = array<i64: 1024, 128>}, {pipeline_mode = #tpu.pipeline_mode<synchronous>, transform_indices = @transform_1, window_bounds = array<i64: 128, 128>}, {transform_indices = @transform_2, window_bounds = array<i64: 2, 1024, 128>}, {transform_indices = @transform_3, window_bounds = array<i64: 1024, 128>}, {transform_indices = @transform_4, window_bounds = array<i64: 1024, 128>}]} {
    %get3A = arith.constant 0 : index
    %get3A_0 = arith.constant 0 : index
    %get3A_1 = arith.constant 0 : index
    %get3A_2 = vector.load %arg3[%get3A, %get3A_0, %get3A_1] : memref<2x1024x128xf32, #tpu.memory_space<vmem>>, vector<1x1024x1xf32>
    %get3A_3 = vector.shape_cast %get3A_2 : vector<1x1024x1xf32> to vector<1024x1xf32>
    %get3A_4 = arith.constant 1 : index
    %get3A_5 = arith.constant 0 : index
    %get3A_6 = arith.constant 0 : index
    %get3A_7 = vector.load %arg3[%get3A_4, %get3A_5, %get3A_6] : memref<2x1024x128xf32, #tpu.memory_space<vmem>>, vector<1x1024x1xf32>
    %get3A_8 = vector.shape_cast %get3A_7 : vector<1x1024x1xf32> to vector<1024x1xf32>
    %add3A = arith.addf %get3A_3, %get3A_8 : vector<1024x1xf32>
    %add3A_9 = arith.constant 1.000000e+00 : f32
    %add3A_10 = vector.broadcast %add3A_9 : f32 to vector<1024x1xf32>
    %add3A_11 = arith.addf %add3A, %add3A_10 : vector<1024x1xf32>
    %rsqrt3A = math.rsqrt %add3A_11 : vector<1024x1xf32>
    %get3A_12 = arith.constant 0 : index
    %get3A_13 = arith.constant 0 : index
    %get3A_14 = vector.load %arg1[%get3A_12, %get3A_13] : memref<1024x128xf32, #tpu.memory_space<vmem>>, vector<1024x128xf32>
    %get3A_15 = arith.constant 0 : index
    %get3A_16 = arith.constant 0 : index
    %get3A_17 = vector.load %arg2[%get3A_15, %get3A_16] : memref<128x128xf32, #tpu.memory_space<vmem>>, vector<128x128xf32>
    %dot_general3A = arith.constant dense<0.000000e+00> : vector<1024x128xf32>
    %dot_general3A_18 = tpu.matmul %get3A_14, %get3A_17, %dot_general3A {dimension_numbers = #tpu.dot_dimension_numbers<[1], [0], [0], [1], [0, 0, 1, 1], [], []>, transpose_lhs_hint = false} : vector<1024x128xf32>, vector<128x128xf32>, vector<1024x128xf32> -> vector<1024x128xf32>
    %mul3A = vector.broadcast %rsqrt3A : vector<1024x1xf32> to vector<1024x128xf32>
    %mul3A_19 = arith.mulf %dot_general3A_18, %mul3A : vector<1024x128xf32>
    %swap3A = arith.constant 0 : index
    %swap3A_20 = arith.constant 0 : index
    %swap3A_21 = vector.load %arg4[%swap3A, %swap3A_20] : memref<1024x128xf32, #tpu.memory_space<vmem>>, vector<1024x128xf32>
    tpu.vector_store %arg4[%swap3A, %swap3A_20], %mul3A_19 {strides = array<i32>} : memref<1024x128xf32, #tpu.memory_space<vmem>>, vector<1024x128xf32>,
    %mul3A_22 = arith.mulf %rsqrt3A, %rsqrt3A : vector<1024x1xf32>
    %mul3A_23 = vector.broadcast %mul3A_22 : vector<1024x1xf32> to vector<1024x128xf32>
    %mul3A_24 = arith.mulf %dot_general3A_18, %mul3A_23 : vector<1024x128xf32>
    %swap3A_25 = arith.constant 0 : index
    %swap3A_26 = arith.constant 0 : index
    %swap3A_27 = vector.load %arg5[%swap3A_25, %swap3A_26] : memref<1024x128xf32, #tpu.memory_space<vmem>>, vector<1024x128xf32>
    tpu.vector_store %arg5[%swap3A_25, %swap3A_26], %mul3A_24 {strides = array<i32>} : memref<1024x128xf32, #tpu.memory_space<vmem>>, vector<1024x128xf32>,
    return
  }
  func.func @transform_0(%arg0: i32) -> (i32, i32) {
    %c0_i32 = arith.constant 0 : i32
    %c0_i32_0 = arith.constant 0 : i32
    return %arg0, %c0_i32 : i32, i32
  }
  func.func @transform_1(%arg0: i32) -> (i32, i32) {
    %c0_i32 = arith.constant 0 : i32
    %c0_i32_0 = arith.constant 0 : i32
    %c0_i32_1 = arith.constant 0 : i32
    return %c0_i32, %c0_i32_0 : i32, i32
  }
  func.func @transform_2(%arg0: i32) -> (i32, i32, i32) {
    %c0_i32 = arith.constant 0 : i32
    %c0_i32_0 = arith.constant 0 : i32
    %c0_i32_1 = arith.constant 0 : i32
    return %c0_i32, %arg0, %c0_i32_0 : i32, i32, i32
  }
  func.func @transform_3(%arg0: i32) -> (i32, i32) {
    %c0_i32 = arith.constant 0 : i32
    %c0_i32_0 = arith.constant 0 : i32
    return %arg0, %c0_i32 : i32, i32
  }
  func.func @transform_4(%arg0: i32) -> (i32, i32) {
    %c0_i32 = arith.constant 0 : i32
    %c0_i32_0 = arith.constant 0 : i32
    return %arg0, %c0_i32 : i32, i32
  }
}

module attributes {stable_mosaic.version = 14 : i64} {
  func.func @_mid_body(%arg0: i32, %arg1: memref<2x2000x128xf32, #tpu.memory_space<vmem>>, %arg2: memref<2x2000x128xf32, #tpu.memory_space<vmem>>, %arg3: memref<2000x128xf32, #tpu.memory_space<vmem>>, %arg4: memref<1x128xf32, #tpu.memory_space<vmem>>, %arg5: memref<1x128xf32, #tpu.memory_space<vmem>>, %arg6: memref<1x128xf32, #tpu.memory_space<vmem>>, %arg7: memref<128x128xf32, #tpu.memory_space<vmem>>, %arg8: memref<1x128xf32, #tpu.memory_space<vmem>>, %arg9: memref<128x128xf32, #tpu.memory_space<vmem>>, %arg10: memref<1x128xf32, #tpu.memory_space<vmem>>, %arg11: memref<128x128xf32, #tpu.memory_space<vmem>>, %arg12: memref<1x128xf32, #tpu.memory_space<vmem>>, %arg13: memref<2000x128xf32, #tpu.memory_space<vmem>>, %arg14: memref<2000x128xbf16, #tpu.memory_space<vmem>>, %arg15: memref<2000x128xbf16, #tpu.memory_space<vmem>>, %arg16: memref<2000x128xbf16, #tpu.memory_space<vmem>>) attributes {dimension_semantics = [#tpu.dimension_semantics<arbitrary>], iteration_bounds = array<i64: 5>, scalar_prefetch = 0 : i64, scratch_operands = 0 : i64, tpu.core_type = #tpu.core_type<tc>, window_params = [{transform_indices = @transform_0, window_bounds = array<i64: 2, 2000, 128>}, {transform_indices = @transform_1, window_bounds = array<i64: 2, 2000, 128>}, {transform_indices = @transform_2, window_bounds = array<i64: 2000, 128>}, {pipeline_mode = #tpu.pipeline_mode<synchronous>, transform_indices = @transform_3, window_bounds = array<i64: 1, 128>}, {pipeline_mode = #tpu.pipeline_mode<synchronous>, transform_indices = @transform_4, window_bounds = array<i64: 1, 128>}, {pipeline_mode = #tpu.pipeline_mode<synchronous>, transform_indices = @transform_5, window_bounds = array<i64: 1, 128>}, {pipeline_mode = #tpu.pipeline_mode<synchronous>, transform_indices = @transform_6, window_bounds = array<i64: 128, 128>}, {pipeline_mode = #tpu.pipeline_mode<synchronous>, transform_indices = @transform_7, window_bounds = array<i64: 1, 128>}, {pipeline_mode = #tpu.pipeline_mode<synchronous>, transform_indices = @transform_8, window_bounds = array<i64: 128, 128>}, {pipeline_mode = #tpu.pipeline_mode<synchronous>, transform_indices = @transform_9, window_bounds = array<i64: 1, 128>}, {pipeline_mode = #tpu.pipeline_mode<synchronous>, transform_indices = @transform_10, window_bounds = array<i64: 128, 128>}, {pipeline_mode = #tpu.pipeline_mode<synchronous>, transform_indices = @transform_11, window_bounds = array<i64: 1, 128>}, {transform_indices = @transform_12, window_bounds = array<i64: 2000, 128>}, {transform_indices = @transform_13, window_bounds = array<i64: 2000, 128>}, {transform_indices = @transform_14, window_bounds = array<i64: 2000, 128>}, {transform_indices = @transform_15, window_bounds = array<i64: 2000, 128>}]} {
    %get3A = arith.constant 0 : index
    %get3A_0 = arith.constant 0 : index
    %get3A_1 = arith.constant 0 : index
    %get3A_2 = vector.load %arg2[%get3A, %get3A_0, %get3A_1] : memref<2x2000x128xf32, #tpu.memory_space<vmem>>, vector<1x2000x1xf32>
    %get3A_3 = vector.shape_cast %get3A_2 : vector<1x2000x1xf32> to vector<2000x1xf32>
    %get3A_4 = arith.constant 1 : index
    %get3A_5 = arith.constant 0 : index
    %get3A_6 = arith.constant 0 : index
    %get3A_7 = vector.load %arg2[%get3A_4, %get3A_5, %get3A_6] : memref<2x2000x128xf32, #tpu.memory_space<vmem>>, vector<1x2000x1xf32>
    %get3A_8 = vector.shape_cast %get3A_7 : vector<1x2000x1xf32> to vector<2000x1xf32>
    %add3A = arith.addf %get3A_3, %get3A_8 : vector<2000x1xf32>
    %add3A_9 = arith.constant 1.000000e+00 : f32
    %add3A_10 = vector.broadcast %add3A_9 : f32 to vector<2000x1xf32>
    %add3A_11 = arith.addf %add3A, %add3A_10 : vector<2000x1xf32>
    %rsqrt3A = math.rsqrt %add3A_11 : vector<2000x1xf32>
    %get3A_12 = arith.constant 0 : index
    %get3A_13 = arith.constant 0 : index
    %get3A_14 = arith.constant 0 : index
    %get3A_15 = vector.load %arg1[%get3A_12, %get3A_13, %get3A_14] : memref<2x2000x128xf32, #tpu.memory_space<vmem>>, vector<1x2000x128xf32>
    %get3A_16 = vector.shape_cast %get3A_15 : vector<1x2000x128xf32> to vector<2000x128xf32>
    %get3A_17 = arith.constant 1 : index
    %get3A_18 = arith.constant 0 : index
    %get3A_19 = arith.constant 0 : index
    %get3A_20 = vector.load %arg1[%get3A_17, %get3A_18, %get3A_19] : memref<2x2000x128xf32, #tpu.memory_space<vmem>>, vector<1x2000x128xf32>
    %get3A_21 = vector.shape_cast %get3A_20 : vector<1x2000x128xf32> to vector<2000x128xf32>
    %add3A_22 = arith.addf %get3A_16, %get3A_21 : vector<2000x128xf32>
    %mul3A = vector.broadcast %rsqrt3A : vector<2000x1xf32> to vector<2000x128xf32>
    %mul3A_23 = arith.mulf %mul3A, %add3A_22 : vector<2000x128xf32>
    %get3A_24 = arith.constant 0 : index
    %get3A_25 = arith.constant 0 : index
    %get3A_26 = vector.load %arg3[%get3A_24, %get3A_25] : memref<2000x128xf32, #tpu.memory_space<vmem>>, vector<2000x128xf32>
    %add3A_27 = arith.addf %mul3A_23, %get3A_26 : vector<2000x128xf32>
    %get3A_28 = arith.constant 0 : index
    %get3A_29 = arith.constant 0 : index
    %get3A_30 = vector.load %arg4[%get3A_28, %get3A_29] : memref<1x128xf32, #tpu.memory_space<vmem>>, vector<1x128xf32>
    %add3A_31 = vector.broadcast %get3A_30 : vector<1x128xf32> to vector<2000x128xf32>
    %add3A_32 = arith.addf %add3A_27, %add3A_31 : vector<2000x128xf32>
    %reduce_sum3A = arith.constant dense<0.000000e+00> : vector<2000xf32>
    %reduce_sum3A_33 = vector.multi_reduction <add>, %add3A_32, %reduce_sum3A [1] : vector<2000x128xf32> to vector<2000xf32>
    %broadcast_in_dim3A = vector.shape_cast %reduce_sum3A_33 : vector<2000xf32> to vector<2000x1xf32>
    %div3A = arith.constant 1.280000e+02 : f32
    %div3A_34 = vector.broadcast %div3A : f32 to vector<2000x1xf32>
    %div3A_35 = arith.divf %broadcast_in_dim3A, %div3A_34 : vector<2000x1xf32>
    %sub3A = vector.broadcast %div3A_35 : vector<2000x1xf32> to vector<2000x128xf32>
    %sub3A_36 = arith.subf %add3A_32, %sub3A : vector<2000x128xf32>
    %integer_pow3A = arith.mulf %sub3A_36, %sub3A_36 : vector<2000x128xf32>
    %reduce_sum3A_37 = arith.constant dense<0.000000e+00> : vector<2000xf32>
    %reduce_sum3A_38 = vector.multi_reduction <add>, %integer_pow3A, %reduce_sum3A_37 [1] : vector<2000x128xf32> to vector<2000xf32>
    %broadcast_in_dim3A_39 = vector.shape_cast %reduce_sum3A_38 : vector<2000xf32> to vector<2000x1xf32>
    %div3A_40 = arith.constant 1.280000e+02 : f32
    %div3A_41 = vector.broadcast %div3A_40 : f32 to vector<2000x1xf32>
    %div3A_42 = arith.divf %broadcast_in_dim3A_39, %div3A_41 : vector<2000x1xf32>
    %sub3A_43 = vector.broadcast %div3A_35 : vector<2000x1xf32> to vector<2000x128xf32>
    %sub3A_44 = arith.subf %add3A_32, %sub3A_43 : vector<2000x128xf32>
    %add3A_45 = arith.constant 9.99999974E-6 : f32
    %add3A_46 = vector.broadcast %add3A_45 : f32 to vector<2000x1xf32>
    %add3A_47 = arith.addf %div3A_42, %add3A_46 : vector<2000x1xf32>
    %rsqrt3A_48 = math.rsqrt %add3A_47 : vector<2000x1xf32>
    %mul3A_49 = vector.broadcast %rsqrt3A_48 : vector<2000x1xf32> to vector<2000x128xf32>
    %mul3A_50 = arith.mulf %sub3A_44, %mul3A_49 : vector<2000x128xf32>
    %get3A_51 = arith.constant 0 : index
    %get3A_52 = arith.constant 0 : index
    %get3A_53 = vector.load %arg5[%get3A_51, %get3A_52] : memref<1x128xf32, #tpu.memory_space<vmem>>, vector<1x128xf32>
    %mul3A_54 = vector.broadcast %get3A_53 : vector<1x128xf32> to vector<2000x128xf32>
    %mul3A_55 = arith.mulf %mul3A_50, %mul3A_54 : vector<2000x128xf32>
    %get3A_56 = arith.constant 0 : index
    %get3A_57 = arith.constant 0 : index
    %get3A_58 = vector.load %arg6[%get3A_56, %get3A_57] : memref<1x128xf32, #tpu.memory_space<vmem>>, vector<1x128xf32>
    %add3A_59 = vector.broadcast %get3A_58 : vector<1x128xf32> to vector<2000x128xf32>
    %add3A_60 = arith.addf %mul3A_55, %add3A_59 : vector<2000x128xf32>
    %swap3A = arith.constant 0 : index
    %swap3A_61 = arith.constant 0 : index
    %swap3A_62 = vector.load %arg13[%swap3A, %swap3A_61] : memref<2000x128xf32, #tpu.memory_space<vmem>>, vector<2000x128xf32>
    tpu.vector_store %arg13[%swap3A, %swap3A_61], %add3A_60 {strides = array<i32>} : memref<2000x128xf32, #tpu.memory_space<vmem>>, vector<2000x128xf32>,
    %get3A_63 = arith.constant 0 : index
    %get3A_64 = arith.constant 0 : index
    %get3A_65 = vector.load %arg7[%get3A_63, %get3A_64] : memref<128x128xf32, #tpu.memory_space<vmem>>, vector<128x128xf32>
    %dot_general3A = arith.constant dense<0.000000e+00> : vector<2000x128xf32>
    %dot_general3A_66 = tpu.matmul %add3A_60, %get3A_65, %dot_general3A {dimension_numbers = #tpu.dot_dimension_numbers<[1], [0], [0], [1], [0, 0, 1, 1], [], []>, transpose_lhs_hint = false} : vector<2000x128xf32>, vector<128x128xf32>, vector<2000x128xf32> -> vector<2000x128xf32>
    %get3A_67 = arith.constant 0 : index
    %get3A_68 = arith.constant 0 : index
    %get3A_69 = vector.load %arg8[%get3A_67, %get3A_68] : memref<1x128xf32, #tpu.memory_space<vmem>>, vector<1x128xf32>
    %add3A_70 = vector.broadcast %get3A_69 : vector<1x128xf32> to vector<2000x128xf32>
    %add3A_71 = arith.addf %dot_general3A_66, %add3A_70 : vector<2000x128xf32>
    %mul3A_72 = arith.constant 0.176776692 : f32
    %mul3A_73 = vector.broadcast %mul3A_72 : f32 to vector<2000x128xf32>
    %mul3A_74 = arith.mulf %add3A_71, %mul3A_73 : vector<2000x128xf32>
    %convert_element_type3A = arith.truncf %mul3A_74 : vector<2000x128xf32> to vector<2000x128xbf16>
    %swap3A_75 = arith.constant 0 : index
    %swap3A_76 = arith.constant 0 : index
    %swap3A_77 = vector.load %arg14[%swap3A_75, %swap3A_76] : memref<2000x128xbf16, #tpu.memory_space<vmem>>, vector<2000x128xbf16>
    tpu.vector_store %arg14[%swap3A_75, %swap3A_76], %convert_element_type3A {strides = array<i32>} : memref<2000x128xbf16, #tpu.memory_space<vmem>>, vector<2000x128xbf16>,
    %get3A_78 = arith.constant 0 : index
    %get3A_79 = arith.constant 0 : index
    %get3A_80 = vector.load %arg9[%get3A_78, %get3A_79] : memref<128x128xf32, #tpu.memory_space<vmem>>, vector<128x128xf32>
    %dot_general3A_81 = arith.constant dense<0.000000e+00> : vector<2000x128xf32>
    %dot_general3A_82 = tpu.matmul %add3A_60, %get3A_80, %dot_general3A_81 {dimension_numbers = #tpu.dot_dimension_numbers<[1], [0], [0], [1], [0, 0, 1, 1], [], []>, transpose_lhs_hint = false} : vector<2000x128xf32>, vector<128x128xf32>, vector<2000x128xf32> -> vector<2000x128xf32>
    %get3A_83 = arith.constant 0 : index
    %get3A_84 = arith.constant 0 : index
    %get3A_85 = vector.load %arg10[%get3A_83, %get3A_84] : memref<1x128xf32, #tpu.memory_space<vmem>>, vector<1x128xf32>
    %add3A_86 = vector.broadcast %get3A_85 : vector<1x128xf32> to vector<2000x128xf32>
    %add3A_87 = arith.addf %dot_general3A_82, %add3A_86 : vector<2000x128xf32>
    %convert_element_type3A_88 = arith.truncf %add3A_87 : vector<2000x128xf32> to vector<2000x128xbf16>
    %swap3A_89 = arith.constant 0 : index
    %swap3A_90 = arith.constant 0 : index
    %swap3A_91 = vector.load %arg15[%swap3A_89, %swap3A_90] : memref<2000x128xbf16, #tpu.memory_space<vmem>>, vector<2000x128xbf16>
    tpu.vector_store %arg15[%swap3A_89, %swap3A_90], %convert_element_type3A_88 {strides = array<i32>} : memref<2000x128xbf16, #tpu.memory_space<vmem>>, vector<2000x128xbf16>,
    %get3A_92 = arith.constant 0 : index
    %get3A_93 = arith.constant 0 : index
    %get3A_94 = vector.load %arg11[%get3A_92, %get3A_93] : memref<128x128xf32, #tpu.memory_space<vmem>>, vector<128x128xf32>
    %dot_general3A_95 = arith.constant dense<0.000000e+00> : vector<2000x128xf32>
    %dot_general3A_96 = tpu.matmul %add3A_60, %get3A_94, %dot_general3A_95 {dimension_numbers = #tpu.dot_dimension_numbers<[1], [0], [0], [1], [0, 0, 1, 1], [], []>, transpose_lhs_hint = false} : vector<2000x128xf32>, vector<128x128xf32>, vector<2000x128xf32> -> vector<2000x128xf32>
    %get3A_97 = arith.constant 0 : index
    %get3A_98 = arith.constant 0 : index
    %get3A_99 = vector.load %arg12[%get3A_97, %get3A_98] : memref<1x128xf32, #tpu.memory_space<vmem>>, vector<1x128xf32>
    %add3A_100 = vector.broadcast %get3A_99 : vector<1x128xf32> to vector<2000x128xf32>
    %add3A_101 = arith.addf %dot_general3A_96, %add3A_100 : vector<2000x128xf32>
    %convert_element_type3A_102 = arith.truncf %add3A_101 : vector<2000x128xf32> to vector<2000x128xbf16>
    %swap3A_103 = arith.constant 0 : index
    %swap3A_104 = arith.constant 0 : index
    %swap3A_105 = vector.load %arg16[%swap3A_103, %swap3A_104] : memref<2000x128xbf16, #tpu.memory_space<vmem>>, vector<2000x128xbf16>
    tpu.vector_store %arg16[%swap3A_103, %swap3A_104], %convert_element_type3A_102 {strides = array<i32>} : memref<2000x128xbf16, #tpu.memory_space<vmem>>, vector<2000x128xbf16>,
    return
  }
  func.func @transform_0(%arg0: i32) -> (i32, i32, i32) {
    %c0_i32 = arith.constant 0 : i32
    %c0_i32_0 = arith.constant 0 : i32
    %c0_i32_1 = arith.constant 0 : i32
    return %c0_i32, %arg0, %c0_i32_0 : i32, i32, i32
  }
  func.func @transform_1(%arg0: i32) -> (i32, i32, i32) {
    %c0_i32 = arith.constant 0 : i32
    %c0_i32_0 = arith.constant 0 : i32
    %c0_i32_1 = arith.constant 0 : i32
    return %c0_i32, %arg0, %c0_i32_0 : i32, i32, i32
  }
  func.func @transform_2(%arg0: i32) -> (i32, i32) {
    %c0_i32 = arith.constant 0 : i32
    %c0_i32_0 = arith.constant 0 : i32
    return %arg0, %c0_i32 : i32, i32
  }
  func.func @transform_3(%arg0: i32) -> (i32, i32) {
    %c0_i32 = arith.constant 0 : i32
    %c0_i32_0 = arith.constant 0 : i32
    %c0_i32_1 = arith.constant 0 : i32
    return %c0_i32, %c0_i32_0 : i32, i32
  }
  func.func @transform_4(%arg0: i32) -> (i32, i32) {
    %c0_i32 = arith.constant 0 : i32
    %c0_i32_0 = arith.constant 0 : i32
    %c0_i32_1 = arith.constant 0 : i32
    return %c0_i32, %c0_i32_0 : i32, i32
  }
  func.func @transform_5(%arg0: i32) -> (i32, i32) {
    %c0_i32 = arith.constant 0 : i32
    %c0_i32_0 = arith.constant 0 : i32
    %c0_i32_1 = arith.constant 0 : i32
    return %c0_i32, %c0_i32_0 : i32, i32
  }
  func.func @transform_6(%arg0: i32) -> (i32, i32) {
    %c0_i32 = arith.constant 0 : i32
    %c0_i32_0 = arith.constant 0 : i32
    %c0_i32_1 = arith.constant 0 : i32
    return %c0_i32, %c0_i32_0 : i32, i32
  }
  func.func @transform_7(%arg0: i32) -> (i32, i32) {
    %c0_i32 = arith.constant 0 : i32
    %c0_i32_0 = arith.constant 0 : i32
    %c0_i32_1 = arith.constant 0 : i32
    return %c0_i32, %c0_i32_0 : i32, i32
  }
  func.func @transform_8(%arg0: i32) -> (i32, i32) {
    %c0_i32 = arith.constant 0 : i32
    %c0_i32_0 = arith.constant 0 : i32
    %c0_i32_1 = arith.constant 0 : i32
    return %c0_i32, %c0_i32_0 : i32, i32
  }
  func.func @transform_9(%arg0: i32) -> (i32, i32) {
    %c0_i32 = arith.constant 0 : i32
    %c0_i32_0 = arith.constant 0 : i32
    %c0_i32_1 = arith.constant 0 : i32
    return %c0_i32, %c0_i32_0 : i32, i32
  }
  func.func @transform_10(%arg0: i32) -> (i32, i32) {
    %c0_i32 = arith.constant 0 : i32
    %c0_i32_0 = arith.constant 0 : i32
    %c0_i32_1 = arith.constant 0 : i32
    return %c0_i32, %c0_i32_0 : i32, i32
  }
  func.func @transform_11(%arg0: i32) -> (i32, i32) {
    %c0_i32 = arith.constant 0 : i32
    %c0_i32_0 = arith.constant 0 : i32
    %c0_i32_1 = arith.constant 0 : i32
    return %c0_i32, %c0_i32_0 : i32, i32
  }
  func.func @transform_12(%arg0: i32) -> (i32, i32) {
    %c0_i32 = arith.constant 0 : i32
    %c0_i32_0 = arith.constant 0 : i32
    return %arg0, %c0_i32 : i32, i32
  }
  func.func @transform_13(%arg0: i32) -> (i32, i32) {
    %c0_i32 = arith.constant 0 : i32
    %c0_i32_0 = arith.constant 0 : i32
    return %arg0, %c0_i32 : i32, i32
  }
  func.func @transform_14(%arg0: i32) -> (i32, i32) {
    %c0_i32 = arith.constant 0 : i32
    %c0_i32_0 = arith.constant 0 : i32
    return %arg0, %c0_i32 : i32, i32
  }
  func.func @transform_15(%arg0: i32) -> (i32, i32) {
    %c0_i32 = arith.constant 0 : i32
    %c0_i32_0 = arith.constant 0 : i32
    return %arg0, %c0_i32 : i32, i32
  }
}

module attributes {stable_mosaic.version = 14 : i64} {
  func.func @_attn_body(%arg0: i32, %arg1: memref<2000x128xbf16, #tpu.memory_space<vmem>>, %arg2: memref<10000x128xbf16, #tpu.memory_space<vmem>>, %arg3: memref<10000x128xbf16, #tpu.memory_space<vmem>>, %arg4: memref<2000x128xf32, #tpu.memory_space<vmem>>, %arg5: memref<128x128xbf16, #tpu.memory_space<vmem>>, %arg6: memref<1x128xf32, #tpu.memory_space<vmem>>, %arg7: memref<2000x128xf32, #tpu.memory_space<vmem>>) attributes {dimension_semantics = [#tpu.dimension_semantics<arbitrary>], iteration_bounds = array<i64: 5>, scalar_prefetch = 0 : i64, scratch_operands = 0 : i64, tpu.core_type = #tpu.core_type<tc>, window_params = [{transform_indices = @transform_0, window_bounds = array<i64: 2000, 128>}, {pipeline_mode = #tpu.pipeline_mode<synchronous>, transform_indices = @transform_1, window_bounds = array<i64: 10000, 128>}, {pipeline_mode = #tpu.pipeline_mode<synchronous>, transform_indices = @transform_2, window_bounds = array<i64: 10000, 128>}, {transform_indices = @transform_3, window_bounds = array<i64: 2000, 128>}, {pipeline_mode = #tpu.pipeline_mode<synchronous>, transform_indices = @transform_4, window_bounds = array<i64: 128, 128>}, {pipeline_mode = #tpu.pipeline_mode<synchronous>, transform_indices = @transform_5, window_bounds = array<i64: 1, 128>}, {transform_indices = @transform_6, window_bounds = array<i64: 2000, 128>}]} {
    %get3A = arith.constant 0 : index
    %get3A_0 = arith.constant 0 : index
    %get3A_1 = vector.load %arg1[%get3A, %get3A_0] : memref<2000x128xbf16, #tpu.memory_space<vmem>>, vector<2000x32xbf16>
    %broadcast_in_dim3A = arith.constant 0.000000e+00 : f32
    %broadcast_in_dim3A_2 = vector.broadcast %broadcast_in_dim3A : f32 to vector<2000x33xf32>
    %scan3A = arith.constant 0 : i32
    %scan3A_3 = arith.constant 5 : i32
    %scan3A_4 = arith.addi %scan3A, %scan3A_3 : i32
    %scan3A_5 = arith.constant 1 : i32
    %scan3A_6 = scf.for %scan3A_69 = %scan3A to %scan3A_4 step %scan3A_5 iter_args(%scan3A_70 = %broadcast_in_dim3A_2) -> (vector<2000x33xf32>)  : i32 {
      %mul3A = arith.constant 2000 : i32
      %mul3A_71 = arith.muli %scan3A_69, %mul3A : i32
      %get3A_72 = arith.index_cast %mul3A_71 : i32 to index
      %get3A_73 = arith.constant 0 : index
      %get3A_74 = vector.load %arg2[%get3A_72, %get3A_73] : memref<10000x128xbf16, #tpu.memory_space<vmem>>, vector<2000x32xbf16>
      %mul3A_75 = arith.constant 2000 : i32
      %mul3A_76 = arith.muli %scan3A_69, %mul3A_75 : i32
      %get3A_77 = arith.index_cast %mul3A_76 : i32 to index
      %get3A_78 = arith.constant 0 : index
      %get3A_79 = vector.load %arg3[%get3A_77, %get3A_78] : memref<10000x128xbf16, #tpu.memory_space<vmem>>, vector<2000x32xbf16>
      %broadcast_in_dim3A_80 = arith.constant 1.000000e+00 : bf16
      %broadcast_in_dim3A_81 = vector.broadcast %broadcast_in_dim3A_80 : bf16 to vector<2000x1xbf16>
      %concatenate3A_82 = tpu.concatenate %get3A_79, %broadcast_in_dim3A_81 in 1 : vector<2000x32xbf16>, vector<2000x1xbf16> -> vector<2000x33xbf16>
      %dot_general3A_83 = arith.constant dense<0.000000e+00> : vector<2000x2000xf32>
      %dot_general3A_84 = tpu.matmul %get3A_1, %get3A_74, %dot_general3A_83 {dimension_numbers = #tpu.dot_dimension_numbers<[1], [1], [0], [0], [0, 0, 1, 0], [], []>, transpose_lhs_hint = false} : vector<2000x32xbf16>, vector<2000x32xbf16>, vector<2000x2000xf32> -> vector<2000x2000xf32>
      %sub3A = arith.constant 1.400000e+01 : f32
      %sub3A_85 = vector.broadcast %sub3A : f32 to vector<2000x2000xf32>
      %sub3A_86 = arith.subf %dot_general3A_84, %sub3A_85 : vector<2000x2000xf32>
      %exp3A = math.exp %sub3A_86 : vector<2000x2000xf32>
      %convert_element_type3A_87 = arith.truncf %exp3A : vector<2000x2000xf32> to vector<2000x2000xbf16>
      %dot_general3A_88 = arith.constant dense<0.000000e+00> : vector<2000x33xf32>
      %dot_general3A_89 = tpu.matmul %convert_element_type3A_87, %concatenate3A_82, %dot_general3A_88 {dimension_numbers = #tpu.dot_dimension_numbers<[1], [0], [0], [1], [0, 0, 1, 1], [], []>, transpose_lhs_hint = false} : vector<2000x2000xbf16>, vector<2000x33xbf16>, vector<2000x33xf32> -> vector<2000x33xf32>
      %add3A_90 = arith.addf %scan3A_70, %dot_general3A_89 : vector<2000x33xf32>
      scf.yield %add3A_90 : vector<2000x33xf32>
    }
    %scan3A_7 = arith.constant 5 : i32
    %slice3A = vector.extract_strided_slice %scan3A_6 {offsets = [0, 0], sizes = [2000, 32], strides = [1, 1]} : vector<2000x33xf32> to vector<2000x32xf32>
    %slice3A_8 = vector.extract_strided_slice %scan3A_6 {offsets = [0, 32], sizes = [2000, 1], strides = [1, 1]} : vector<2000x33xf32> to vector<2000x1xf32>
    %div3A = vector.broadcast %slice3A_8 : vector<2000x1xf32> to vector<2000x32xf32>
    %div3A_9 = arith.divf %slice3A, %div3A : vector<2000x32xf32>
    %get3A_10 = arith.constant 0 : index
    %get3A_11 = arith.constant 32 : index
    %get3A_12 = vector.load %arg1[%get3A_10, %get3A_11] : memref<2000x128xbf16, #tpu.memory_space<vmem>>, vector<2000x32xbf16>
    %broadcast_in_dim3A_13 = arith.constant 0.000000e+00 : f32
    %broadcast_in_dim3A_14 = vector.broadcast %broadcast_in_dim3A_13 : f32 to vector<2000x33xf32>
    %scan3A_15 = arith.constant 0 : i32
    %scan3A_16 = arith.constant 5 : i32
    %scan3A_17 = arith.addi %scan3A_15, %scan3A_16 : i32
    %scan3A_18 = arith.constant 1 : i32
    %scan3A_19 = scf.for %scan3A_69 = %scan3A_15 to %scan3A_17 step %scan3A_18 iter_args(%scan3A_70 = %broadcast_in_dim3A_14) -> (vector<2000x33xf32>)  : i32 {
      %mul3A = arith.constant 2000 : i32
      %mul3A_71 = arith.muli %scan3A_69, %mul3A : i32
      %get3A_72 = arith.index_cast %mul3A_71 : i32 to index
      %get3A_73 = arith.constant 32 : index
      %get3A_74 = vector.load %arg2[%get3A_72, %get3A_73] : memref<10000x128xbf16, #tpu.memory_space<vmem>>, vector<2000x32xbf16>
      %mul3A_75 = arith.constant 2000 : i32
      %mul3A_76 = arith.muli %scan3A_69, %mul3A_75 : i32
      %get3A_77 = arith.index_cast %mul3A_76 : i32 to index
      %get3A_78 = arith.constant 32 : index
      %get3A_79 = vector.load %arg3[%get3A_77, %get3A_78] : memref<10000x128xbf16, #tpu.memory_space<vmem>>, vector<2000x32xbf16>
      %broadcast_in_dim3A_80 = arith.constant 1.000000e+00 : bf16
      %broadcast_in_dim3A_81 = vector.broadcast %broadcast_in_dim3A_80 : bf16 to vector<2000x1xbf16>
      %concatenate3A_82 = tpu.concatenate %get3A_79, %broadcast_in_dim3A_81 in 1 : vector<2000x32xbf16>, vector<2000x1xbf16> -> vector<2000x33xbf16>
      %dot_general3A_83 = arith.constant dense<0.000000e+00> : vector<2000x2000xf32>
      %dot_general3A_84 = tpu.matmul %get3A_12, %get3A_74, %dot_general3A_83 {dimension_numbers = #tpu.dot_dimension_numbers<[1], [1], [0], [0], [0, 0, 1, 0], [], []>, transpose_lhs_hint = false} : vector<2000x32xbf16>, vector<2000x32xbf16>, vector<2000x2000xf32> -> vector<2000x2000xf32>
      %sub3A = arith.constant 1.400000e+01 : f32
      %sub3A_85 = vector.broadcast %sub3A : f32 to vector<2000x2000xf32>
      %sub3A_86 = arith.subf %dot_general3A_84, %sub3A_85 : vector<2000x2000xf32>
      %exp3A = math.exp %sub3A_86 : vector<2000x2000xf32>
      %convert_element_type3A_87 = arith.truncf %exp3A : vector<2000x2000xf32> to vector<2000x2000xbf16>
      %dot_general3A_88 = arith.constant dense<0.000000e+00> : vector<2000x33xf32>
      %dot_general3A_89 = tpu.matmul %convert_element_type3A_87, %concatenate3A_82, %dot_general3A_88 {dimension_numbers = #tpu.dot_dimension_numbers<[1], [0], [0], [1], [0, 0, 1, 1], [], []>, transpose_lhs_hint = false} : vector<2000x2000xbf16>, vector<2000x33xbf16>, vector<2000x33xf32> -> vector<2000x33xf32>
      %add3A_90 = arith.addf %scan3A_70, %dot_general3A_89 : vector<2000x33xf32>
      scf.yield %add3A_90 : vector<2000x33xf32>
    }
    %scan3A_20 = arith.constant 5 : i32
    %slice3A_21 = vector.extract_strided_slice %scan3A_19 {offsets = [0, 0], sizes = [2000, 32], strides = [1, 1]} : vector<2000x33xf32> to vector<2000x32xf32>
    %slice3A_22 = vector.extract_strided_slice %scan3A_19 {offsets = [0, 32], sizes = [2000, 1], strides = [1, 1]} : vector<2000x33xf32> to vector<2000x1xf32>
    %div3A_23 = vector.broadcast %slice3A_22 : vector<2000x1xf32> to vector<2000x32xf32>
    %div3A_24 = arith.divf %slice3A_21, %div3A_23 : vector<2000x32xf32>
    %get3A_25 = arith.constant 0 : index
    %get3A_26 = arith.constant 64 : index
    %get3A_27 = vector.load %arg1[%get3A_25, %get3A_26] : memref<2000x128xbf16, #tpu.memory_space<vmem>>, vector<2000x32xbf16>
    %broadcast_in_dim3A_28 = arith.constant 0.000000e+00 : f32
    %broadcast_in_dim3A_29 = vector.broadcast %broadcast_in_dim3A_28 : f32 to vector<2000x33xf32>
    %scan3A_30 = arith.constant 0 : i32
    %scan3A_31 = arith.constant 5 : i32
    %scan3A_32 = arith.addi %scan3A_30, %scan3A_31 : i32
    %scan3A_33 = arith.constant 1 : i32
    %scan3A_34 = scf.for %scan3A_69 = %scan3A_30 to %scan3A_32 step %scan3A_33 iter_args(%scan3A_70 = %broadcast_in_dim3A_29) -> (vector<2000x33xf32>)  : i32 {
      %mul3A = arith.constant 2000 : i32
      %mul3A_71 = arith.muli %scan3A_69, %mul3A : i32
      %get3A_72 = arith.index_cast %mul3A_71 : i32 to index
      %get3A_73 = arith.constant 64 : index
      %get3A_74 = vector.load %arg2[%get3A_72, %get3A_73] : memref<10000x128xbf16, #tpu.memory_space<vmem>>, vector<2000x32xbf16>
      %mul3A_75 = arith.constant 2000 : i32
      %mul3A_76 = arith.muli %scan3A_69, %mul3A_75 : i32
      %get3A_77 = arith.index_cast %mul3A_76 : i32 to index
      %get3A_78 = arith.constant 64 : index
      %get3A_79 = vector.load %arg3[%get3A_77, %get3A_78] : memref<10000x128xbf16, #tpu.memory_space<vmem>>, vector<2000x32xbf16>
      %broadcast_in_dim3A_80 = arith.constant 1.000000e+00 : bf16
      %broadcast_in_dim3A_81 = vector.broadcast %broadcast_in_dim3A_80 : bf16 to vector<2000x1xbf16>
      %concatenate3A_82 = tpu.concatenate %get3A_79, %broadcast_in_dim3A_81 in 1 : vector<2000x32xbf16>, vector<2000x1xbf16> -> vector<2000x33xbf16>
      %dot_general3A_83 = arith.constant dense<0.000000e+00> : vector<2000x2000xf32>
      %dot_general3A_84 = tpu.matmul %get3A_27, %get3A_74, %dot_general3A_83 {dimension_numbers = #tpu.dot_dimension_numbers<[1], [1], [0], [0], [0, 0, 1, 0], [], []>, transpose_lhs_hint = false} : vector<2000x32xbf16>, vector<2000x32xbf16>, vector<2000x2000xf32> -> vector<2000x2000xf32>
      %sub3A = arith.constant 1.400000e+01 : f32
      %sub3A_85 = vector.broadcast %sub3A : f32 to vector<2000x2000xf32>
      %sub3A_86 = arith.subf %dot_general3A_84, %sub3A_85 : vector<2000x2000xf32>
      %exp3A = math.exp %sub3A_86 : vector<2000x2000xf32>
      %convert_element_type3A_87 = arith.truncf %exp3A : vector<2000x2000xf32> to vector<2000x2000xbf16>
      %dot_general3A_88 = arith.constant dense<0.000000e+00> : vector<2000x33xf32>
      %dot_general3A_89 = tpu.matmul %convert_element_type3A_87, %concatenate3A_82, %dot_general3A_88 {dimension_numbers = #tpu.dot_dimension_numbers<[1], [0], [0], [1], [0, 0, 1, 1], [], []>, transpose_lhs_hint = false} : vector<2000x2000xbf16>, vector<2000x33xbf16>, vector<2000x33xf32> -> vector<2000x33xf32>
      %add3A_90 = arith.addf %scan3A_70, %dot_general3A_89 : vector<2000x33xf32>
      scf.yield %add3A_90 : vector<2000x33xf32>
    }
    %scan3A_35 = arith.constant 5 : i32
    %slice3A_36 = vector.extract_strided_slice %scan3A_34 {offsets = [0, 0], sizes = [2000, 32], strides = [1, 1]} : vector<2000x33xf32> to vector<2000x32xf32>
    %slice3A_37 = vector.extract_strided_slice %scan3A_34 {offsets = [0, 32], sizes = [2000, 1], strides = [1, 1]} : vector<2000x33xf32> to vector<2000x1xf32>
    %div3A_38 = vector.broadcast %slice3A_37 : vector<2000x1xf32> to vector<2000x32xf32>
    %div3A_39 = arith.divf %slice3A_36, %div3A_38 : vector<2000x32xf32>
    %get3A_40 = arith.constant 0 : index
    %get3A_41 = arith.constant 96 : index
    %get3A_42 = vector.load %arg1[%get3A_40, %get3A_41] : memref<2000x128xbf16, #tpu.memory_space<vmem>>, vector<2000x32xbf16>
    %broadcast_in_dim3A_43 = arith.constant 0.000000e+00 : f32
    %broadcast_in_dim3A_44 = vector.broadcast %broadcast_in_dim3A_43 : f32 to vector<2000x33xf32>
    %scan3A_45 = arith.constant 0 : i32
    %scan3A_46 = arith.constant 5 : i32
    %scan3A_47 = arith.addi %scan3A_45, %scan3A_46 : i32
    %scan3A_48 = arith.constant 1 : i32
    %scan3A_49 = scf.for %scan3A_69 = %scan3A_45 to %scan3A_47 step %scan3A_48 iter_args(%scan3A_70 = %broadcast_in_dim3A_44) -> (vector<2000x33xf32>)  : i32 {
      %mul3A = arith.constant 2000 : i32
      %mul3A_71 = arith.muli %scan3A_69, %mul3A : i32
      %get3A_72 = arith.index_cast %mul3A_71 : i32 to index
      %get3A_73 = arith.constant 96 : index
      %get3A_74 = vector.load %arg2[%get3A_72, %get3A_73] : memref<10000x128xbf16, #tpu.memory_space<vmem>>, vector<2000x32xbf16>
      %mul3A_75 = arith.constant 2000 : i32
      %mul3A_76 = arith.muli %scan3A_69, %mul3A_75 : i32
      %get3A_77 = arith.index_cast %mul3A_76 : i32 to index
      %get3A_78 = arith.constant 96 : index
      %get3A_79 = vector.load %arg3[%get3A_77, %get3A_78] : memref<10000x128xbf16, #tpu.memory_space<vmem>>, vector<2000x32xbf16>
      %broadcast_in_dim3A_80 = arith.constant 1.000000e+00 : bf16
      %broadcast_in_dim3A_81 = vector.broadcast %broadcast_in_dim3A_80 : bf16 to vector<2000x1xbf16>
      %concatenate3A_82 = tpu.concatenate %get3A_79, %broadcast_in_dim3A_81 in 1 : vector<2000x32xbf16>, vector<2000x1xbf16> -> vector<2000x33xbf16>
      %dot_general3A_83 = arith.constant dense<0.000000e+00> : vector<2000x2000xf32>
      %dot_general3A_84 = tpu.matmul %get3A_42, %get3A_74, %dot_general3A_83 {dimension_numbers = #tpu.dot_dimension_numbers<[1], [1], [0], [0], [0, 0, 1, 0], [], []>, transpose_lhs_hint = false} : vector<2000x32xbf16>, vector<2000x32xbf16>, vector<2000x2000xf32> -> vector<2000x2000xf32>
      %sub3A = arith.constant 1.400000e+01 : f32
      %sub3A_85 = vector.broadcast %sub3A : f32 to vector<2000x2000xf32>
      %sub3A_86 = arith.subf %dot_general3A_84, %sub3A_85 : vector<2000x2000xf32>
      %exp3A = math.exp %sub3A_86 : vector<2000x2000xf32>
      %convert_element_type3A_87 = arith.truncf %exp3A : vector<2000x2000xf32> to vector<2000x2000xbf16>
      %dot_general3A_88 = arith.constant dense<0.000000e+00> : vector<2000x33xf32>
      %dot_general3A_89 = tpu.matmul %convert_element_type3A_87, %concatenate3A_82, %dot_general3A_88 {dimension_numbers = #tpu.dot_dimension_numbers<[1], [0], [0], [1], [0, 0, 1, 1], [], []>, transpose_lhs_hint = false} : vector<2000x2000xbf16>, vector<2000x33xbf16>, vector<2000x33xf32> -> vector<2000x33xf32>
      %add3A_90 = arith.addf %scan3A_70, %dot_general3A_89 : vector<2000x33xf32>
      scf.yield %add3A_90 : vector<2000x33xf32>
    }
    %scan3A_50 = arith.constant 5 : i32
    %slice3A_51 = vector.extract_strided_slice %scan3A_49 {offsets = [0, 0], sizes = [2000, 32], strides = [1, 1]} : vector<2000x33xf32> to vector<2000x32xf32>
    %slice3A_52 = vector.extract_strided_slice %scan3A_49 {offsets = [0, 32], sizes = [2000, 1], strides = [1, 1]} : vector<2000x33xf32> to vector<2000x1xf32>
    %div3A_53 = vector.broadcast %slice3A_52 : vector<2000x1xf32> to vector<2000x32xf32>
    %div3A_54 = arith.divf %slice3A_51, %div3A_53 : vector<2000x32xf32>
    %concatenate3A = tpu.concatenate %div3A_9, %div3A_24, %div3A_39, %div3A_54 in 1 : vector<2000x32xf32>, vector<2000x32xf32>, vector<2000x32xf32>, vector<2000x32xf32> -> vector<2000x128xf32>
    %get3A_55 = arith.constant 0 : index
    %get3A_56 = arith.constant 0 : index
    %get3A_57 = vector.load %arg4[%get3A_55, %get3A_56] : memref<2000x128xf32, #tpu.memory_space<vmem>>, vector<2000x128xf32>
    %convert_element_type3A = arith.truncf %concatenate3A : vector<2000x128xf32> to vector<2000x128xbf16>
    %get3A_58 = arith.constant 0 : index
    %get3A_59 = arith.constant 0 : index
    %get3A_60 = vector.load %arg5[%get3A_58, %get3A_59] : memref<128x128xbf16, #tpu.memory_space<vmem>>, vector<128x128xbf16>
    %dot_general3A = arith.constant dense<0.000000e+00> : vector<2000x128xf32>
    %dot_general3A_61 = tpu.matmul %convert_element_type3A, %get3A_60, %dot_general3A {dimension_numbers = #tpu.dot_dimension_numbers<[1], [0], [0], [1], [0, 0, 1, 1], [], []>, transpose_lhs_hint = false} : vector<2000x128xbf16>, vector<128x128xbf16>, vector<2000x128xf32> -> vector<2000x128xf32>
    %add3A = arith.addf %get3A_57, %dot_general3A_61 : vector<2000x128xf32>
    %get3A_62 = arith.constant 0 : index
    %get3A_63 = arith.constant 0 : index
    %get3A_64 = vector.load %arg6[%get3A_62, %get3A_63] : memref<1x128xf32, #tpu.memory_space<vmem>>, vector<1x128xf32>
    %add3A_65 = vector.broadcast %get3A_64 : vector<1x128xf32> to vector<2000x128xf32>
    %add3A_66 = arith.addf %add3A, %add3A_65 : vector<2000x128xf32>
    %swap3A = arith.constant 0 : index
    %swap3A_67 = arith.constant 0 : index
    %swap3A_68 = vector.load %arg7[%swap3A, %swap3A_67] : memref<2000x128xf32, #tpu.memory_space<vmem>>, vector<2000x128xf32>
    tpu.vector_store %arg7[%swap3A, %swap3A_67], %add3A_66 {strides = array<i32>} : memref<2000x128xf32, #tpu.memory_space<vmem>>, vector<2000x128xf32>,
    return
  }
  func.func @transform_0(%arg0: i32) -> (i32, i32) {
    %c0_i32 = arith.constant 0 : i32
    %c0_i32_0 = arith.constant 0 : i32
    return %arg0, %c0_i32 : i32, i32
  }
  func.func @transform_1(%arg0: i32) -> (i32, i32) {
    %c0_i32 = arith.constant 0 : i32
    %c0_i32_0 = arith.constant 0 : i32
    %c0_i32_1 = arith.constant 0 : i32
    return %c0_i32, %c0_i32_0 : i32, i32
  }
  func.func @transform_2(%arg0: i32) -> (i32, i32) {
    %c0_i32 = arith.constant 0 : i32
    %c0_i32_0 = arith.constant 0 : i32
    %c0_i32_1 = arith.constant 0 : i32
    return %c0_i32, %c0_i32_0 : i32, i32
  }
  func.func @transform_3(%arg0: i32) -> (i32, i32) {
    %c0_i32 = arith.constant 0 : i32
    %c0_i32_0 = arith.constant 0 : i32
    return %arg0, %c0_i32 : i32, i32
  }
  func.func @transform_4(%arg0: i32) -> (i32, i32) {
    %c0_i32 = arith.constant 0 : i32
    %c0_i32_0 = arith.constant 0 : i32
    %c0_i32_1 = arith.constant 0 : i32
    return %c0_i32, %c0_i32_0 : i32, i32
  }
  func.func @transform_5(%arg0: i32) -> (i32, i32) {
    %c0_i32 = arith.constant 0 : i32
    %c0_i32_0 = arith.constant 0 : i32
    %c0_i32_1 = arith.constant 0 : i32
    return %c0_i32, %c0_i32_0 : i32, i32
  }
  func.func @transform_6(%arg0: i32) -> (i32, i32) {
    %c0_i32 = arith.constant 0 : i32
    %c0_i32_0 = arith.constant 0 : i32
    return %arg0, %c0_i32 : i32, i32
  }
}

</mosaic_0001>

<sc_bundles>
// kernel: kernel.10.cloned.1.call-start
scs
__scs_entry_jumppad:
0x0: {  	(pc) =	sbr.rel $0x88, $3  }
0x1: {  	(tag) =	ssettag $0x0;
	lr =	simm.s32 $0x1  }
0x2: {  	[smem:$0x3F93] =	sst lr;
	_ =	strace $0xD0000000  }
0x3: {  	_ = 	snop  }
0x4: {  	_ = 	snop  }
0x5: {  	_ = 	snop  }
0x6: {  	_ = 	snop  }
0x7: {  	_ = 	snop  }
__scs_overlays_trampoline_lowered:
0x8: {  	[smem:$0x3FA2] =	sst s0  }
0x9: {  	[smem:$0x3FA3] =	sst s1  }
0xa: {  	[smem:$0x3FA4] =	sst s2  }
0xb: {  	[smem:$0x3FA5] =	sst s3  }
0xc: {  	[smem:$0x3FA6] =	sst s4  }
0xd: {  	[smem:$0x3FA7] =	sst s5  }
0xe: {  	[smem:$0x3FA8] =	sst s6  }
0xf: {  	[smem:$0x3FA9] =	sst s7  }
0x10: {  	[smem:$0x3FAA] =	sst s8  }
0x11: {  	[smem:$0x3FAB] =	sst s9;
	s0 =	simm.s32 @!p0 $0x0  }
0x12: {  	s1 =	sld [smem:$0x3F91];
	s0 =	simm.s32 @p0 $0x1  }
0x13: {  	[smem:$0x3FAC] =	sst s0;
	s0 =	simm.s32 @!p1 $0x0  }
0x14: {  	s2 =	sld [smem:$0x3F90];
	s0 =	simm.s32 @p1 $0x1  }
0x15: {  	[smem:$0x3FAD] =	sst s0;
	s0 =	simm.s32 @!p2 $0x0  }
0x16: {  	s3 =	sld [smem:$0x3FDB];
	s0 =	simm.s32 @p2 $0x1  }
0x17: {  	s4 =	simm.s32 $0x1BF5;
	[smem:$0x3FAF] =	sst s0  }
0x18: {  	s0 =	sld [smem:$0x3F92];
	_ =	swait.ge [sflag:s4], $0x0  }
0x19: {  	s7 =	sld [smem:$0x3F93]  }
0x1a: {  	s8 =	sadd.s32 $0xFFFFE003, lr  }
0x1b: {  	s9 =	sadd.s32 $0xFFFFFEF7, lr;
	s5 =	simm.s32 $0xFFFFFFFF;
	p2 =	slt.u32 s8, $0xFFFFF086  }
0x1c: {  	p1 =	slt.u32 s9, $0xF7A;
	s5 =	simm.s32 @!p2 $0x0  }
0x1d: {  	s5 =	simm.s32 @p1 $0x1;
	p0 =	seq.s32 s7, s2  }
0x1e: {  	s7 =	smul.u32 @!p0 $0xF7A, s2;
	p2 =	seq.s32 @!p0 s5, $0x0  }
0x1f: {  	s9 =	smul.u32 $0xF7A, s1;
	s8 =	simm.s32 @!p0 $0x1BF5;
	p2 =	por !p2, p0  }
0x20: {  	[sflag:s8] =	ssyncset.s32 @!p0 $0xFFFFF086;
	s6 =	sadd.s32 @!p0 s3, s7;
	s7 =	simm.s32 @!p0 $0x108  }
0x21: {  	s3 =	sadd.s32 s3, s9;
	s6 =	sadd.s32 @!p0 $0x88, s6;
	s7 =	simm.s32 @p2 $0x1082  }
0x22: {  	[simem:s7], [sflag:s8] =	dma.local @!p0 [hbm:s6], $0xF7A  }
0x23: {  	s9 =	sor.u32 $0xD0000000, s2;
	s6 =	simm.s32 $0x108;
	_ =	swait.ge @!p0 [sflag:s8], $0x0  }
0x24: {  	s3 =	sadd.s32 $0x88, s3;
	s6 =	simm.s32 @!p1 $0x1082;
	[sflag:s4] =	ssyncset.s32 $0xFFFFF086  }
0x25: {  	[simem:s6], [sflag:s4] =	dma.local [hbm:s3], $0xF7A  }
0x26: {  	[smem:$0x3F93] =	sst s1;
	(tag) =	ssettag s2;
	_ =	strace s9  }
0x27: {  	s1 =	sld [smem:$0x3FA3]  }
0x28: {  	s2 =	sld [smem:$0x3FA4]  }
0x29: {  	s4 =	sld [smem:$0x3FA6]  }
0x2a: {  	p0 =	seq.s32 s5, $0x0;
	s5 =	sld [smem:$0x3FA7]  }
0x2b: {  	s6 =	sld [smem:$0x3FA8]  }
0x2c: {  	s7 =	sld [smem:$0x3FA9]  }
0x2d: {  	s3 =	simm.s32 $0x108;
	s8 =	sld [smem:$0x3FAA]  }
0x2e: {  	s3 =	simm.s32 @!p0 $0x1082;
	s9 =	sld [smem:$0x3FAB]  }
0x2f: {  	lr =	sadd.s32 s0, s3;
	s0 =	sld [smem:$0x3FA2]  }
0x30: {  	s3 =	sld [smem:$0x3FA5]  }
0x31: {  	[smem:$0x3FAE] =	sst s10  }
0x32: {  	s10 =	sld [smem:$0x3FAC];
	_ =	sdelay $0x3  }
0x33: {  	p0 =	seq.s32 s10, $0x1;
	s10 =	sld [smem:$0x3FAE];
	_ =	sdelay $0x3  }
0x34: {  	[smem:$0x3FAE] =	sst s10  }
0x35: {  	s10 =	sld [smem:$0x3FAD];
	_ =	sdelay $0x3  }
0x36: {  	p1 =	seq.s32 s10, $0x1;
	s10 =	sld [smem:$0x3FAE];
	_ =	sdelay $0x3  }
0x37: {  	[smem:$0x3FAE] =	sst s10  }
0x38: {  	s10 =	sld [smem:$0x3FAF]  }
0x39: {  	_ = 	snop;
	(pc) =	sbr.ind lr, $3  }
0x3a: {  	_ = 	snop  }
0x3b: {  	_ = 	snop  }
0x3c: {  	p2 =	seq.s32 s10, $0x1;
	s10 =	sld [smem:$0x3FAE]  }
0x3d: {  	_ =	shalt  }
0x3e: {  	_ =	shalt  }
0x3f: {  	_ =	shalt  }
0x40: {  	_ =	shalt  }
0x41: {  	_ =	shalt  }
0x42: {  	_ =	shalt  }
0x43: {  	_ =	shalt  }
0x44: {  	_ =	shalt  }
0x45: {  	_ =	shalt  }
0x46: {  	_ =	shalt  }
0x47: {  	_ =	shalt  }
0x48: {  	_ =	shalt  }
0x49: {  	_ =	shalt  }
0x4a: {  	_ =	shalt  }
0x4b: {  	_ =	shalt  }
0x4c: {  	_ =	shalt  }
0x4d: {  	_ =	shalt  }
0x4e: {  	_ =	shalt  }
0x4f: {  	_ =	shalt  }
0x50: {  	_ =	shalt  }
0x51: {  	_ =	shalt  }
0x52: {  	_ =	shalt  }
0x53: {  	_ =	shalt  }
0x54: {  	_ =	shalt  }
0x55: {  	_ =	shalt  }
0x56: {  	_ =	shalt  }
0x57: {  	_ =	shalt  }
0x58: {  	_ =	shalt  }
0x59: {  	_ =	shalt  }
0x5a: {  	_ =	shalt  }
0x5b: {  	_ =	shalt  }
0x5c: {  	_ =	shalt  }
0x5d: {  	_ =	shalt  }
0x5e: {  	_ =	shalt  }
0x5f: {  	_ =	shalt  }
0x60: {  	_ =	shalt  }
0x61: {  	_ =	shalt  }
0x62: {  	_ =	shalt  }
0x63: {  	_ =	shalt  }
0x64: {  	_ =	shalt  }
0x65: {  	_ =	shalt  }
0x66: {  	_ =	shalt  }
0x67: {  	_ =	shalt  }
0x68: {  	_ =	shalt  }
0x69: {  	_ =	shalt  }
0x6a: {  	_ =	shalt  }
0x6b: {  	_ =	shalt  }
0x6c: {  	_ =	shalt  }
0x6d: {  	_ =	shalt  }
0x6e: {  	_ =	shalt  }
0x6f: {  	_ =	shalt  }
0x70: {  	_ =	shalt  }
0x71: {  	_ =	shalt  }
0x72: {  	_ =	shalt  }
0x73: {  	_ =	shalt  }
0x74: {  	_ =	shalt  }
0x75: {  	_ =	shalt  }
0x76: {  	_ =	shalt  }
0x77: {  	_ =	shalt  }
0x78: {  	_ =	shalt  }
0x79: {  	_ =	shalt  }
0x7a: {  	_ =	shalt  }
0x7b: {  	_ =	shalt  }
0x7c: {  	_ =	shalt  }
0x7d: {  	_ =	shalt  }
0x7e: {  	_ =	shalt  }
0x7f: {  	_ =	shalt  }
0x80: {  	_ =	shalt  }
0x81: {  	_ =	shalt  }
0x82: {  	_ =	shalt  }
0x83: {  	_ =	shalt  }
0x84: {  	_ =	shalt  }
0x85: {  	_ =	shalt  }
0x86: {  	_ =	shalt  }
0x87: {  	_ =	shalt  }
.Lfunc_end0:
.L_simem_size_0:
called_computation.1_lowered:
.L_overlay_start_0:
0x88: {  	s2 =	sld [smem:$0x3FD9]  }
0x89: {  	s3 =	sld [smem:$0x3FFE];
	_ =	sdelay $0x1  }
0x8a: {  	s1 =	srdreg.scid  }
0x8b: {  	s0 =	sand.u32 $0x1, s1  }
0x8c: {  	s17 =	sshll.u32 s0, $0xA;
	s2 =	sadd.s32 s3, s2  }
0x8d: {  	s2 =	sadd.s32 s2, s17  }
0x8e: {  	[smem:$0x3FBA] =	sst s2  }
0x8f: {  	_ = 	snop  }
0x90: {  	s2 =	sld [smem:$0x3FD0];
	(tm) =	ssettm $0x1  }
0x91: {  	s18 =	sld [smem:$0x3FFB];
	_ =	sdelay $0x3  }
0x92: {  	_ =	strace s18  }
0x93: {  	s3 =	sld [smem:$0x3FFC];
	_ =	sdelay $0x3  }
0x94: {  	_ =	strace s3  }
0x95: {  	s3 =	sld [smem:$0x3FFD];
	_ =	sdelay $0x3  }
0x96: {  	_ =	strace s3  }
0x97: {  	_ =	strace $0x8FFFFFFF  }
0x98: {  	s19 =	sld [smem:$0x3FDB];
	_ =	sdelay $0x1  }
0x99: {  	s4 =	simm.s32 $_scs_section_size  }
0x9a: {  	s5 =	simm.s32 $_size__tile_overlayer_lowered;
	s6 =	simm.s32 $_tile_overlayer_lowered  }
0x9b: {  	s22 =	simm.s32 $0x1BFF;
	s21 =	sshll.u32 s6, $0x1;
	s3 =	sadd.s32 s4, s19  }
0x9c: {  	s7 =	simm.s32 $0x0;
	s20 =	sshll.u32 s5, $0x1;
	s5 =	sadd.s32 s21, s3  }
0x9d: {  	[timem:s7], [sflag:s22] =	dma.local [hbm:s5], s20  }
0x9e: {  	_ =	swait.ge [sflag:s22], s20  }
0x9f: {  	s4 =	ssub.s32 $0x0, s20;
	[sflag:s22] =	ssyncset.done $0x0  }
0xa0: {  	[sflag:s22] =	ssyncadd.s32 s4;
	_ =	sdelay $0x1  }
0xa1: {  	s23 =	simm.s32 $0x1B8B  }
0xa2: {  	_ =	swait.ge [sflag:s23], $0x1  }
0xa3: {  	[sflag:s23] =	ssyncset.done $0x0  }
0xa4: {  	s25 =	simm.s32 $0x1B8E;
	s24 =	sld [smem:$0x3FFE];
	[sflag:s23] =	ssyncadd.s32 $0xFFFFFFFF  }
0xa5: {  	s26 =	simm.s32 $execute0_lowered;
	[smem:$0x3FD2] =	sst s25  }
0xa6: {  	s5 =	sshll.u32 s26, $0x1;
	_ =	strace $0x80000049;
	[dreg:$0x1] =	wrdreg $0xFFFFFFFF  }
0xa7: {  	s28 =	simm.s32 $_size_execute0_lowered;
	s3 =	sadd.s32 s3, s5;
	[dreg:$0x0] =	wrdreg $0x0  }
0xa8: {  	s5 =	sshll.u32 s28, $0x1;
	[dreg:$0x2] =	wrdreg s3  }
0xa9: {  	[dreg:$0x3] =	wrdreg s5  }
0xaa: {  	[dreg:$0x4] =	wrdreg $0xC0  }
0xab: {  	_ =	task [dreg:s7], $0x5FFFF  }
0xac: {  	[dreg:$0x1] =	wrdreg $0xFFFFFFFF  }
0xad: {  	[dreg:$0x0] =	wrdreg $0x60  }
0xae: {  	[dreg:$0x2] =	wrdreg s24  }
0xaf: {  	[dreg:$0x3] =	wrdreg s2  }
0xb0: {  	[dreg:$0x4] =	wrdreg $0xA8000  }
0xb1: {  	[dreg:$0x5] =	wrdreg $0x9  }
0xb2: {  	_ =	task.clear_ibuf [dreg:s7], $0x6FFFF;
	_ =	strace $0x90000049  }
0xb3: {  	s29 =	simm.s32 $0x9;
	_ =	strace $0x8000004B  }
0xb4: {  	_ =	swait.ge [sflag:s29], $0x1  }
0xb5: {  	[sflag:s29] =	ssyncadd.s32 $0xFFFFFFFF  }
0xb6: {  	_ =	strace $0x9000004B  }
0xb7: {  	_ =	sfence  }
0xb8: {  	s30 =	sld [smem:$0x0];
	_ =	sdelay $0x2  }
0xb9: {  	s31 =	sshll.u32 s1, $0xD;
	s1 =	sshrl.u32 s1, $0x2  }
0xba: {  	s3 =	sand.u32 $0x4000, s31;
	s1 =	sadd.s32 s1, s30  }
0xbb: {  	s0 =	sor.u32 s3, s0;
	s1 =	sshll.u32 s1, $0x11  }
0xbc: {  	s0 =	sor.u32 s1, s0  }
0xbd: {  	s0 =	sadd.s32 $0x8F2B, s0  }
0xbe: {  	[sflag:s0] =	ssyncadd.remote.s32 $0x1  }
0xbf: {  	_ =	sfence.sel $0xFFFF  }
0xc0: {  	[dreg:$0x0] =	wrdreg $0xFFFFFFFF;
	(pc) =	sbr.abs _section_cstart, $3  }
0xc1: {  	[dreg:$0x1] =	wrdreg $0xFFFFFFFF  }
0xc2: {  	_ =	task.clear_ibuf [dreg:s7], $0x2FFFF;
	_ =	strace $0x9FFFFFFF  }
0xc3: {  	(tm) =	ssettm $0x7FFFFFFF  }
tec
execute0_lowered:
.L_overlay_start_1:
0x0: {  	(tag) =	ssettag $0x1  }
0x1: {  	s5 =	rddreg [dreg:$0x0]  }
0x2: {  	s7 =	rddreg [dreg:$0x1]  }
0x3: {  	s0 =	srdreg.scid;
	s2 =	rddreg [dreg:$0x2];
	s3 =	simm.s32 $0x0  }
0x4: {  	s16 =	simm.s32 $0x1;
	s9 =	sand.u32 $0x1, s0;
	s0 =	stileid.u32  }
0x5: {  	s17 =	simm.s32 $0x0;
	[smem:$0x7FF] =	sst s3;
	s6 =	smul.u32 $0x14000, s0  }
0x6: {  	s4 =	sadd.s32 $0x91800, s5;
	s1 =	sshll.u32 s9, $0x4;
	s10 =	smul.u32 $0x140000, s9  }
0x7: {  	s28 =	smul.u32 $0x50000, s0;
	s13 =	ssub.s32 $0x2, s9;
	s31 =	sshll.u32 s0, $0x6  }
0x8: {  	p0 =	seq.s32 s9, $0x0;
	s9 =	simm.s32 $0x64;
	s1 =	sor.u32 s0, s1  }
0x9: {  	s29 =	sshrl.u32 s13, $0x1;
	s9 =	simm.s32 @!p0 $0x3A;
	s8 =	smul.u32 $0x680, s1  }
0xa: {  	s1 =	rddreg [dreg:$0x3];
	_ =	strace $0x8000004A;
	s12 =	sshrl.u32 s6, $0x3  }
0xb: {  	s6 =	sadd.s32 s6, s10;
	s30 =	sshrl.u32 s28, $0x2;
	s13 =	ssub.s32 s13, s29  }
0xc: {  	s12 =	sadd.s32 s12, s5;
	s6 =	sshrl.u32 s6, $0x3;
	s15 =	sadd.s32 s30, s2  }
0xd: {  	s11 =	sadd.s32 s8, s5;
	s14 =	sadd.s32 s6, s5;
	s5 =	sadd.s32 $0xC000, s12  }
0xe: {  	s6 =	sor.u32 $0x1C02, s31;
	s7 =	sadd.s32 s7, s8;
	s12 =	sshrl.u32 s15, $0x3  }
0xf: {  	s15 =	simm.s32 $0x6800;
	s8 =	sadd.s32 $0x84800, s11;
	s10 =	sadd.s32 $0xB9800, s14  }
0x10: {  	s11 =	smax.u32 s13, $0x1;
	s13 =	simm.s32 $0x2;
	s14 =	simm.s32 $0x80  }
.LBB2_1:
0x11: {  	[spmem:s12], [sflag:s6] =	dma.local [hbm:s5], $0x2800  }
0x12: {  	_ =	swait.ge [sflag:s13], $0x2800  }
0x13: {  	[sflag:s13] =	ssyncset.done $0x0  }
0x14: {  	[sflag:s13] =	ssyncadd.s32 $0xFFFFD800  }
0x15: {  	[tilespmem:s3], [sflag:$0x2] =	stream.linear.gather [hbm4b:s7+s3], $0x3200, $0x38;
	[tilespmem:$0x1E800] =	vst v63  }
0x16: {  	_ =	swait.ge [sflag:s13], $0x3200  }
0x17: {  	[sflag:s13] =	ssyncset.done $0x0  }
0x18: {  	s18 =	simm.s32 $0x3400;
	[sflag:s13] =	ssyncadd.s32 $0xFFFFCE00  }
0x19: {  	[tilespmem:s18], [sflag:$0x2] =	stream.linear.gather [hbm4b:s8+s3], $0x3200, $0x38;
	[tilespmem:$0x1E800] =	vst v63  }
0x1a: {  	_ =	swait.ge [sflag:s13], $0x3200  }
0x1b: {  	[sflag:s13] =	ssyncset.done $0x0  }
0x1c: {  	[sflag:s13] =	ssyncadd.s32 $0xFFFFCE00  }
0x1d: {  	[bflag:$0x0] =	sbarrier.arrive $0xFFFF  }
0x1e: {  	[tilespmem:s15], [sflag:$0x1] =	stream.indirect.gather [hbm4b:s4+s14], $0x80, s3, s14, $0xb8;
	[tilespmem:$0x1E800] =	vst v63  }
0x1f: {  	p0 =	sne.s32 s9, $0x1;
	_ =	swait.ge [sflag:s16], $0x4000  }
.Ltmp0:
0x20: {  	[sflag:s16] =	ssyncset.done $0x0;
	(pc) =	sbr.rel @!p0 .LBB2_3-.Ltmp0, $4  }
0x21: {  	[sflag:s16] =	ssyncadd.s32 $0xFFFFC000  }
0x22: {  	[spmem:s2] =	stream.indirect.scatter.add.f32 [tilespmem:s15], [sflag:$0x2], $0x80, s18, s14, $0xb8;
	[tilespmem:$0x1E800] =	vst v63  }
0x23: {  	_ =	swait.ge [sflag:s13], $0x4000  }
0x24: {  	s19 =	sadd.s32 $0xFFFFFFFF, s9;
	s20 =	simm.s32 $0x0;
	[sflag:s13] =	ssyncset.done $0x0  }
.LBB2_2:
0x25: {  	[sflag:s13] =	ssyncadd.s32 $0xFFFFC000;
	s20 =	sadd.s32 $0x80, s20;
	s18 =	sadd.s32 $0x80, s18  }
0x26: {  	[tilespmem:s15], [sflag:$0x1] =	stream.indirect.gather [hbm4b:s4+s14], $0x80, s20, s14, $0xb8;
	[tilespmem:$0x1E800] =	vst v63  }
0x27: {  	p0 =	sne.s32 s19, $0x1;
	s19 =	sadd.s32 $0xFFFFFFFF, s19;
	_ =	swait.ge [sflag:s16], $0x4000  }
.Ltmp1:
0x28: {  	[sflag:s16] =	ssyncset.done $0x0;
	(pc) =	sbr.rel @p0 .LBB2_2-.Ltmp1, $4  }
0x29: {  	[sflag:s16] =	ssyncadd.s32 $0xFFFFC000  }
0x2a: {  	[spmem:s2] =	stream.indirect.scatter.add.f32 [tilespmem:s15], [sflag:$0x2], $0x80, s18, s14, $0xb8;
	[tilespmem:$0x1E800] =	vst v63  }
0x2b: {  	_ =	swait.ge [sflag:s13], $0x4000  }
0x2c: {  	[sflag:s13] =	ssyncset.done $0x0  }
.LBB2_3:
0x2d: {  	s17 =	sadd.s32 $0x1, s17  }
0x2e: {  	[sflag:s13] =	ssyncadd.s32 $0xFFFFC000;
	p0 =	sne.s32 s17, s11  }
.Ltmp2:
0x2f: {  	[bflag:$0x0] =	sbarrier.arrive $0xFFFF;
	(pc) =	sbr.rel @p0 .LBB2_1-.Ltmp2, $4  }
0x30: {  	[hbm:s10], [sflag:s6] =	dma.local [spmem:s12], $0x2800  }
0x31: {  	_ =	swait.ge [sflag:s13], $0x2800  }
0x32: {  	[sflag:s13] =	ssyncset.done $0x0  }
0x33: {  	[sflag:s13] =	ssyncadd.s32 $0xFFFFD800  }
0x34: {  	_ =	sfence.sel $0x180000  }
0x35: {  	[bflag:$0x0] =	sbarrier.arrive $0xFFFF  }
0x36: {  	p0 =	sne.s32 s0, $0x0;
	_ =	strace $0x9000004A  }
0x37: {  	s0 =	sadd.s32 @!p0 $0x100000, s1;
	[bflag:$0x2] =	sbarrier.arrive $0xFFFF  }
0x38: {  	[sflag:s0] =	ssyncadd.tile.s32 @!p0 $0x1;
	_ =	shalt  }
.Lfunc_end2:
_tile_overlayer_lowered:
.L_overlay_start_2:
0x39: {  	(tag) =	ssettag $0x2  }
0x3a: {  	s0 =	rddreg [dreg:$0x0];
	s2 =	stileid.u32  }
0x3b: {  	s1 =	rddreg [dreg:$0x1];
	p0 =	sne.s32 s2, $0x0  }
0x3c: {  	s3 =	rddreg [dreg:$0x2];
	[bflag:$0x3] =	sbarrier.arrive $0xFFFF;
	s2 =	simm.s32 @!p0 $0x1C02  }
0x3d: {  	[timem:s3], [sflag:s2] =	dma.local @!p0 [hbm:s0], s1  }
0x3e: {  	s0 =	simm.s32 @!p0 $0x2  }
0x3f: {  	_ =	swait.ge @!p0 [sflag:s0], s1  }
0x40: {  	s1 =	ssub.s32 @!p0 $0x0, s1;
	[sflag:s0] =	ssyncset.done @!p0 $0x0  }
0x41: {  	[sflag:s0] =	ssyncadd.s32 @!p0 s1  }
0x42: {  	[bflag:$0x3] =	sbarrier.arrive $0xFFFF  }
0x43: {  	_ =	shalt  }

// kernel: kernel.7.cloned.1.call-start
scs
__scs_entry_jumppad:
0x0: {  	(pc) =	sbr.rel $0x88, $3  }
0x1: {  	(tag) =	ssettag $0x0;
	lr =	simm.s32 $0x1  }
0x2: {  	[smem:$0x3F93] =	sst lr;
	_ =	strace $0xD0000000  }
0x3: {  	_ = 	snop  }
0x4: {  	_ = 	snop  }
0x5: {  	_ = 	snop  }
0x6: {  	_ = 	snop  }
0x7: {  	_ = 	snop  }
__scs_overlays_trampoline_lowered:
0x8: {  	[smem:$0x3FA2] =	sst s0  }
0x9: {  	[smem:$0x3FA3] =	sst s1  }
0xa: {  	[smem:$0x3FA4] =	sst s2  }
0xb: {  	[smem:$0x3FA5] =	sst s3  }
0xc: {  	[smem:$0x3FA6] =	sst s4  }
0xd: {  	[smem:$0x3FA7] =	sst s5  }
0xe: {  	[smem:$0x3FA8] =	sst s6  }
0xf: {  	[smem:$0x3FA9] =	sst s7  }
0x10: {  	[smem:$0x3FAA] =	sst s8  }
0x11: {  	[smem:$0x3FAB] =	sst s9;
	s0 =	simm.s32 @!p0 $0x0  }
0x12: {  	s1 =	sld [smem:$0x3F91];
	s0 =	simm.s32 @p0 $0x1  }
0x13: {  	[smem:$0x3FAC] =	sst s0;
	s0 =	simm.s32 @!p1 $0x0  }
0x14: {  	s2 =	sld [smem:$0x3F90];
	s0 =	simm.s32 @p1 $0x1  }
0x15: {  	[smem:$0x3FAD] =	sst s0;
	s0 =	simm.s32 @!p2 $0x0  }
0x16: {  	s3 =	sld [smem:$0x3FDB];
	s0 =	simm.s32 @p2 $0x1  }
0x17: {  	s4 =	simm.s32 $0x1BF5;
	[smem:$0x3FAF] =	sst s0  }
0x18: {  	s0 =	sld [smem:$0x3F92];
	_ =	swait.ge [sflag:s4], $0x0  }
0x19: {  	s7 =	sld [smem:$0x3F93]  }
0x1a: {  	s8 =	sadd.s32 $0xFFFFE003, lr  }
0x1b: {  	s9 =	sadd.s32 $0xFFFFFEF7, lr;
	s5 =	simm.s32 $0xFFFFFFFF;
	p2 =	slt.u32 s8, $0xFFFFF086  }
0x1c: {  	p1 =	slt.u32 s9, $0xF7A;
	s5 =	simm.s32 @!p2 $0x0  }
0x1d: {  	s5 =	simm.s32 @p1 $0x1;
	p0 =	seq.s32 s7, s2  }
0x1e: {  	s7 =	smul.u32 @!p0 $0xF7A, s2;
	p2 =	seq.s32 @!p0 s5, $0x0  }
0x1f: {  	s9 =	smul.u32 $0xF7A, s1;
	s8 =	simm.s32 @!p0 $0x1BF5;
	p2 =	por !p2, p0  }
0x20: {  	[sflag:s8] =	ssyncset.s32 @!p0 $0xFFFFF086;
	s6 =	sadd.s32 @!p0 s3, s7;
	s7 =	simm.s32 @!p0 $0x108  }
0x21: {  	s3 =	sadd.s32 s3, s9;
	s6 =	sadd.s32 @!p0 $0x88, s6;
	s7 =	simm.s32 @p2 $0x1082  }
0x22: {  	[simem:s7], [sflag:s8] =	dma.local @!p0 [hbm:s6], $0xF7A  }
0x23: {  	s9 =	sor.u32 $0xD0000000, s2;
	s6 =	simm.s32 $0x108;
	_ =	swait.ge @!p0 [sflag:s8], $0x0  }
0x24: {  	s3 =	sadd.s32 $0x88, s3;
	s6 =	simm.s32 @!p1 $0x1082;
	[sflag:s4] =	ssyncset.s32 $0xFFFFF086  }
0x25: {  	[simem:s6], [sflag:s4] =	dma.local [hbm:s3], $0xF7A  }
0x26: {  	[smem:$0x3F93] =	sst s1;
	(tag) =	ssettag s2;
	_ =	strace s9  }
0x27: {  	s1 =	sld [smem:$0x3FA3]  }
0x28: {  	s2 =	sld [smem:$0x3FA4]  }
0x29: {  	s4 =	sld [smem:$0x3FA6]  }
0x2a: {  	p0 =	seq.s32 s5, $0x0;
	s5 =	sld [smem:$0x3FA7]  }
0x2b: {  	s6 =	sld [smem:$0x3FA8]  }
0x2c: {  	s7 =	sld [smem:$0x3FA9]  }
0x2d: {  	s3 =	simm.s32 $0x108;
	s8 =	sld [smem:$0x3FAA]  }
0x2e: {  	s3 =	simm.s32 @!p0 $0x1082;
	s9 =	sld [smem:$0x3FAB]  }
0x2f: {  	lr =	sadd.s32 s0, s3;
	s0 =	sld [smem:$0x3FA2]  }
0x30: {  	s3 =	sld [smem:$0x3FA5]  }
0x31: {  	[smem:$0x3FAE] =	sst s10  }
0x32: {  	s10 =	sld [smem:$0x3FAC];
	_ =	sdelay $0x3  }
0x33: {  	p0 =	seq.s32 s10, $0x1;
	s10 =	sld [smem:$0x3FAE];
	_ =	sdelay $0x3  }
0x34: {  	[smem:$0x3FAE] =	sst s10  }
0x35: {  	s10 =	sld [smem:$0x3FAD];
	_ =	sdelay $0x3  }
0x36: {  	p1 =	seq.s32 s10, $0x1;
	s10 =	sld [smem:$0x3FAE];
	_ =	sdelay $0x3  }
0x37: {  	[smem:$0x3FAE] =	sst s10  }
0x38: {  	s10 =	sld [smem:$0x3FAF]  }
0x39: {  	_ = 	snop;
	(pc) =	sbr.ind lr, $3  }
0x3a: {  	_ = 	snop  }
0x3b: {  	_ = 	snop  }
0x3c: {  	p2 =	seq.s32 s10, $0x1;
	s10 =	sld [smem:$0x3FAE]  }
0x3d: {  	_ =	shalt  }
0x3e: {  	_ =	shalt  }
0x3f: {  	_ =	shalt  }
0x40: {  	_ =	shalt  }
0x41: {  	_ =	shalt  }
0x42: {  	_ =	shalt  }
0x43: {  	_ =	shalt  }
0x44: {  	_ =	shalt  }
0x45: {  	_ =	shalt  }
0x46: {  	_ =	shalt  }
0x47: {  	_ =	shalt  }
0x48: {  	_ =	shalt  }
0x49: {  	_ =	shalt  }
0x4a: {  	_ =	shalt  }
0x4b: {  	_ =	shalt  }
0x4c: {  	_ =	shalt  }
0x4d: {  	_ =	shalt  }
0x4e: {  	_ =	shalt  }
0x4f: {  	_ =	shalt  }
0x50: {  	_ =	shalt  }
0x51: {  	_ =	shalt  }
0x52: {  	_ =	shalt  }
0x53: {  	_ =	shalt  }
0x54: {  	_ =	shalt  }
0x55: {  	_ =	shalt  }
0x56: {  	_ =	shalt  }
0x57: {  	_ =	shalt  }
0x58: {  	_ =	shalt  }
0x59: {  	_ =	shalt  }
0x5a: {  	_ =	shalt  }
0x5b: {  	_ =	shalt  }
0x5c: {  	_ =	shalt  }
0x5d: {  	_ =	shalt  }
0x5e: {  	_ =	shalt  }
0x5f: {  	_ =	shalt  }
0x60: {  	_ =	shalt  }
0x61: {  	_ =	shalt  }
0x62: {  	_ =	shalt  }
0x63: {  	_ =	shalt  }
0x64: {  	_ =	shalt  }
0x65: {  	_ =	shalt  }
0x66: {  	_ =	shalt  }
0x67: {  	_ =	shalt  }
0x68: {  	_ =	shalt  }
0x69: {  	_ =	shalt  }
0x6a: {  	_ =	shalt  }
0x6b: {  	_ =	shalt  }
0x6c: {  	_ =	shalt  }
0x6d: {  	_ =	shalt  }
0x6e: {  	_ =	shalt  }
0x6f: {  	_ =	shalt  }
0x70: {  	_ =	shalt  }
0x71: {  	_ =	shalt  }
0x72: {  	_ =	shalt  }
0x73: {  	_ =	shalt  }
0x74: {  	_ =	shalt  }
0x75: {  	_ =	shalt  }
0x76: {  	_ =	shalt  }
0x77: {  	_ =	shalt  }
0x78: {  	_ =	shalt  }
0x79: {  	_ =	shalt  }
0x7a: {  	_ =	shalt  }
0x7b: {  	_ =	shalt  }
0x7c: {  	_ =	shalt  }
0x7d: {  	_ =	shalt  }
0x7e: {  	_ =	shalt  }
0x7f: {  	_ =	shalt  }
0x80: {  	_ =	shalt  }
0x81: {  	_ =	shalt  }
0x82: {  	_ =	shalt  }
0x83: {  	_ =	shalt  }
0x84: {  	_ =	shalt  }
0x85: {  	_ =	shalt  }
0x86: {  	_ =	shalt  }
0x87: {  	_ =	shalt  }
.Lfunc_end0:
.L_simem_size_0:
called_computation_lowered:
.L_overlay_start_0:
0x88: {  	s2 =	sld [smem:$0x3FD9]  }
0x89: {  	s3 =	sld [smem:$0x3FFE];
	_ =	sdelay $0x1  }
0x8a: {  	s1 =	srdreg.scid  }
0x8b: {  	s0 =	sand.u32 $0x1, s1  }
0x8c: {  	s16 =	sshll.u32 s0, $0xA;
	s2 =	sadd.s32 s3, s2  }
0x8d: {  	s2 =	sadd.s32 s2, s16  }
0x8e: {  	[smem:$0x3FBA] =	sst s2  }
0x8f: {  	_ = 	snop  }
0x90: {  	(tm) =	ssettm $0x1  }
0x91: {  	s17 =	sld [smem:$0x3FFB];
	_ =	sdelay $0x3  }
0x92: {  	_ =	strace s17  }
0x93: {  	s2 =	sld [smem:$0x3FFC];
	_ =	sdelay $0x3  }
0x94: {  	_ =	strace s2  }
0x95: {  	s2 =	sld [smem:$0x3FFD];
	_ =	sdelay $0x3  }
0x96: {  	_ =	strace s2  }
0x97: {  	_ =	strace $0x8FFFFFFF  }
0x98: {  	s18 =	sld [smem:$0x3FDB];
	_ =	sdelay $0x1  }
0x99: {  	s19 =	simm.s32 $_scs_section_size  }
0x9a: {  	s4 =	simm.s32 $_size__tile_overlayer_lowered;
	s5 =	simm.s32 $_tile_overlayer_lowered  }
0x9b: {  	s22 =	simm.s32 $0x1BFF;
	s21 =	sshll.u32 s5, $0x1;
	s2 =	sadd.s32 s19, s18  }
0x9c: {  	s6 =	simm.s32 $0x0;
	s20 =	sshll.u32 s4, $0x1;
	s4 =	sadd.s32 s21, s2  }
0x9d: {  	[timem:s6], [sflag:s22] =	dma.local [hbm:s4], s20  }
0x9e: {  	_ =	swait.ge [sflag:s22], s20  }
0x9f: {  	s3 =	ssub.s32 $0x0, s20;
	[sflag:s22] =	ssyncset.done $0x0  }
0xa0: {  	[sflag:s22] =	ssyncadd.s32 s3;
	_ =	sdelay $0x1  }
0xa1: {  	s23 =	simm.s32 $0x1B8B  }
0xa2: {  	_ =	swait.ge [sflag:s23], $0x1  }
0xa3: {  	[sflag:s23] =	ssyncset.done $0x0  }
0xa4: {  	s25 =	simm.s32 $0x1B8E;
	s24 =	sld [smem:$0x3FFE];
	[sflag:s23] =	ssyncadd.s32 $0xFFFFFFFF  }
0xa5: {  	s26 =	simm.s32 $execute0_lowered;
	[smem:$0x3FD2] =	sst s25  }
0xa6: {  	s4 =	sshll.u32 s26, $0x1;
	_ =	strace $0x80000046;
	[dreg:$0x1] =	wrdreg $0xFFFFFFFF  }
0xa7: {  	s28 =	simm.s32 $_size_execute0_lowered;
	s2 =	sadd.s32 s2, s4;
	[dreg:$0x0] =	wrdreg $0x0  }
0xa8: {  	s4 =	sshll.u32 s28, $0x1;
	[dreg:$0x2] =	wrdreg s2  }
0xa9: {  	[dreg:$0x3] =	wrdreg s4  }
0xaa: {  	[dreg:$0x4] =	wrdreg $0xC0  }
0xab: {  	_ =	task [dreg:s6], $0x5FFFF  }
0xac: {  	[dreg:$0x1] =	wrdreg $0xFFFFFFFF  }
0xad: {  	[dreg:$0x0] =	wrdreg $0x60  }
0xae: {  	[dreg:$0x2] =	wrdreg s24  }
0xaf: {  	[dreg:$0x3] =	wrdreg $0x68000  }
0xb0: {  	[dreg:$0x4] =	wrdreg $0x9  }
0xb1: {  	_ =	task.clear_ibuf [dreg:s6], $0x5FFFF;
	_ =	strace $0x90000046  }
0xb2: {  	s29 =	simm.s32 $0x9;
	_ =	strace $0x80000048  }
0xb3: {  	_ =	swait.ge [sflag:s29], $0x1  }
0xb4: {  	[sflag:s29] =	ssyncadd.s32 $0xFFFFFFFF  }
0xb5: {  	_ =	strace $0x90000048  }
0xb6: {  	_ =	sfence  }
0xb7: {  	s30 =	sld [smem:$0x0];
	_ =	sdelay $0x2  }
0xb8: {  	s31 =	sshll.u32 s1, $0xD;
	s1 =	sshrl.u32 s1, $0x2  }
0xb9: {  	s3 =	sand.u32 $0x4000, s31;
	s1 =	sadd.s32 s1, s30  }
0xba: {  	s0 =	sor.u32 s3, s0;
	s1 =	sshll.u32 s1, $0x11  }
0xbb: {  	s0 =	sor.u32 s1, s0  }
0xbc: {  	s0 =	sadd.s32 $0x8F2B, s0  }
0xbd: {  	[sflag:s0] =	ssyncadd.remote.s32 $0x1  }
0xbe: {  	_ =	sfence.sel $0xFFFF  }
0xbf: {  	[dreg:$0x0] =	wrdreg $0xFFFFFFFF;
	(pc) =	sbr.abs _section_cstart, $3  }
0xc0: {  	[dreg:$0x1] =	wrdreg $0xFFFFFFFF  }
0xc1: {  	_ =	task.clear_ibuf [dreg:s6], $0x2FFFF;
	_ =	strace $0x9FFFFFFF  }
0xc2: {  	(tm) =	ssettm $0x7FFFFFFF  }
0xc3: {  	_ =	shalt  }
tec
execute0_lowered:
.L_overlay_start_1:
0x0: {  	(tag) =	ssettag $0x1  }
0x1: {  	s0 =	srdreg.scid;
	s6 =	rddreg [dreg:$0x0]  }
0x2: {  	s2 =	rddreg [dreg:$0x1];
	s5 =	sand.u32 $0x1, s0;
	s0 =	stileid.u32  }
0x3: {  	s3 =	simm.s32 $0x0;
	s14 =	simm.s32 $0x0;
	s7 =	smul.u32 $0x14000, s0  }
0x4: {  	[smem:$0x7FF] =	sst s3;
	s1 =	sshll.u32 s5, $0x4;
	s8 =	smul.u32 $0x140000, s5  }
0x5: {  	s5 =	ssub.s32 $0x2, s5;
	s29 =	smul.u32 $0x50000, s0;
	s31 =	sshll.u32 s0, $0x6  }
0x6: {  	s4 =	sor.u32 s0, s1;
	s1 =	rddreg [dreg:$0x2];
	_ =	strace $0x80000047  }
0x7: {  	s11 =	sshrl.u32 s5, $0x1;
	s4 =	smul.u32 $0x500, s4;
	s10 =	sshrl.u32 s7, $0x3  }
0x8: {  	s7 =	sadd.s32 s7, s8;
	s11 =	ssub.s32 s5, s11;
	s30 =	sshrl.u32 s29, $0x2  }
0x9: {  	s10 =	sadd.s32 s10, s6;
	s7 =	sshrl.u32 s7, $0x3;
	s13 =	sadd.s32 s30, s2  }
0xa: {  	s9 =	sadd.s32 s4, s6;
	s4 =	sadd.s32 $0x34000, s6;
	s12 =	sadd.s32 s7, s6  }
0xb: {  	s5 =	sadd.s32 $0xC000, s10;
	s6 =	sor.u32 $0x1C01, s31;
	s10 =	sshrl.u32 s13, $0x3  }
0xc: {  	s13 =	simm.s32 $0x80;
	s7 =	sadd.s32 $0x2000, s9;
	s8 =	sadd.s32 $0x34800, s12  }
0xd: {  	s9 =	smax.u32 s11, $0x1;
	s11 =	simm.s32 $0x1;
	s12 =	simm.s32 $0x2800  }
.LBB2_1:
0xe: {  	[spmem:s10], [sflag:s6] =	dma.local [hbm:s5], $0x2800  }
0xf: {  	_ =	swait.ge [sflag:s11], $0x2800  }
0x10: {  	[sflag:s11] =	ssyncset.done $0x0  }
0x11: {  	[sflag:s11] =	ssyncadd.s32 $0xFFFFD800  }
0x12: {  	[tilespmem:s12], [sflag:$0x1] =	stream.linear.gather [hbm4b:s4+s3], $0x4000, $0x38;
	[tilespmem:$0x1A800] =	vst v63  }
0x13: {  	_ =	swait.ge [sflag:s11], $0x4000  }
0x14: {  	[sflag:s11] =	ssyncset.done $0x0  }
0x15: {  	[sflag:s11] =	ssyncadd.s32 $0xFFFFC000  }
0x16: {  	[tilespmem:s3], [sflag:$0x1] =	stream.linear.gather [hbm4b:s7+s3], $0x2800, $0x38;
	[tilespmem:$0x1A800] =	vst v63  }
0x17: {  	_ =	swait.ge [sflag:s11], $0x2800  }
0x18: {  	[sflag:s11] =	ssyncset.done $0x0  }
0x19: {  	[sflag:s11] =	ssyncadd.s32 $0xFFFFD800  }
0x1a: {  	s15 =	simm.s32 $0x0;
	[bflag:$0x0] =	sbarrier.arrive $0xFFFF  }
0x1b: {  	[spmem:s2] =	stream.indirect.scatter.add.f32 [tilespmem:s12], [sflag:$0x1], $0x80, s15, s13, $0xb8;
	[tilespmem:$0x1A800] =	vst v63  }
0x1c: {  	_ =	swait.ge [sflag:s11], $0x4000  }
0x1d: {  	s15 =	simm.s32 $0x200;
	[sflag:s11] =	ssyncset.done $0x0  }
.LBB2_2:
0x1e: {  	s16 =	sshra.s32 s15, $0x2;
	[sflag:s11] =	ssyncadd.s32 $0xFFFFC000;
	p0 =	sne.s32 s15, $0x9E00  }
0x1f: {  	[spmem:s2] =	stream.indirect.scatter.add.f32 [tilespmem:s12], [sflag:$0x1], $0x80, s16, s13, $0xb8;
	[tilespmem:$0x1A800] =	vst v63  }
.Ltmp0:
0x20: {  	_ = 	snop;
	(pc) =	sbr.rel @p0 .LBB2_2-.Ltmp0, $4  }
0x21: {  	_ = 	snop  }
0x22: {  	s15 =	sadd.s32 $0x200, s15  }
0x23: {  	_ =	swait.ge [sflag:s11], $0x4000  }
0x24: {  	[sflag:s11] =	ssyncset.done $0x0  }
0x25: {  	s14 =	sadd.s32 $0x1, s14  }
0x26: {  	[sflag:s11] =	ssyncadd.s32 $0xFFFFC000;
	p0 =	sne.s32 s14, s9  }
.Ltmp1:
0x27: {  	[bflag:$0x0] =	sbarrier.arrive $0xFFFF;
	(pc) =	sbr.rel @p0 .LBB2_1-.Ltmp1, $4  }
0x28: {  	[hbm:s8], [sflag:s6] =	dma.local [spmem:s10], $0x2800  }
0x29: {  	_ =	swait.ge [sflag:s11], $0x2800  }
0x2a: {  	[sflag:s11] =	ssyncset.done $0x0  }
0x2b: {  	[sflag:s11] =	ssyncadd.s32 $0xFFFFD800  }
0x2c: {  	_ =	sfence.sel $0x180000  }
0x2d: {  	[bflag:$0x0] =	sbarrier.arrive $0xFFFF  }
0x2e: {  	p0 =	sne.s32 s0, $0x0;
	_ =	strace $0x90000047  }
0x2f: {  	s0 =	sadd.s32 @!p0 $0x100000, s1;
	[bflag:$0x2] =	sbarrier.arrive $0xFFFF  }
0x30: {  	[sflag:s0] =	ssyncadd.tile.s32 @!p0 $0x1;
	_ =	shalt  }
.Lfunc_end2:
_tile_overlayer_lowered:
.L_overlay_start_2:
0x31: {  	(tag) =	ssettag $0x2  }
0x32: {  	s0 =	rddreg [dreg:$0x0];
	s2 =	stileid.u32  }
0x33: {  	s1 =	rddreg [dreg:$0x1];
	p0 =	sne.s32 s2, $0x0  }
0x34: {  	s3 =	rddreg [dreg:$0x2];
	[bflag:$0x3] =	sbarrier.arrive $0xFFFF;
	s2 =	simm.s32 @!p0 $0x1C01  }
0x35: {  	[timem:s3], [sflag:s2] =	dma.local @!p0 [hbm:s0], s1  }
0x36: {  	s0 =	simm.s32 @!p0 $0x1  }
0x37: {  	_ =	swait.ge @!p0 [sflag:s0], s1  }
0x38: {  	s1 =	ssub.s32 @!p0 $0x0, s1;
	[sflag:s0] =	ssyncset.done @!p0 $0x0  }
0x39: {  	[sflag:s0] =	ssyncadd.s32 @!p0 s1  }
0x3a: {  	[bflag:$0x3] =	sbarrier.arrive $0xFFFF  }
0x3b: {  	_ =	shalt  }

</sc_bundles>
